<compile_context>
chip_gen: v7x
topology: tpu7x:2x2x1
jax: 0.10.2.dev20260603
libtpu: 0.0.44.dev20260713+nightly
codegen_flags: <defaults>
</compile_context>

<pallas_src>
import functools

import jax
import jax.numpy as jnp
import numpy as np
from jax import lax
from jax.experimental import pallas as pl
from jax.experimental.pallas import tpu as pltpu
from jax.experimental.pallas import tpu_sc as plsc

B = 2; L = 2; NUM_SEM = 16; NON_SEM = 4
H = 480; W = 640; DU = 4
Hd = H // DU; Wd = W // DU
VR = 100; RES = 5; Z_RES = 5
MIN_DEPTH = 20.0; MAX_DEPTH = 500.0
AGENT_H = 88.0; HFOV = 79.0
MAP_SIZE_CM = 2400; GDS = 2
GM = MAP_SIZE_CM // RES
LM = GM // GDS
MIN_VOX = int(-40 / Z_RES); MAX_VOX = int(360 / Z_RES)
ZB = MAX_VOX - MIN_VOX
MIN_MAP_H = int(25 / Z_RES - MIN_VOX)
MAX_MAP_H = int((AGENT_H + 1) / Z_RES - MIN_VOX)
CAT_T = 5.0; EXP_T = 1.0; MAP_T = 1.0
FX = (W / 2.0) / np.tan(np.deg2rad(HFOV / 2.0))
CX = W / 2.0; CY = H / 2.0
Y0 = LM // 2; X0 = LM // 2 - VR // 2
G0 = GM // 2 - LM // 2

T = B * L
NCH = 1 + NUM_SEM + 1
CW = 32
HP = 128
NPTS = HP * Wd
CELLS = VR * VR
ACC_ROWS = 10240
NTILES = 16
PPT = NPTS // NTILES
CHUNK = 128
NCHUNK = PPT // CHUNK
ZROWS = ACC_ROWS // NTILES


def _prep_body(obs_ref, idx_ref, vals_ref):
    obs = obs_ref[0]
    depth = MIN_DEPTH + obs[0] * (MAX_DEPTH - MIN_DEPTH)
    js = lax.broadcasted_iota(jnp.int32, (Hd, Wd), 1).astype(jnp.float32) * float(DU)
    iss = lax.broadcasted_iota(jnp.int32, (Hd, Wd), 0).astype(jnp.float32) * float(DU)
    rx = (js - CX) / FX
    ry = (CY - iss) / FX
    lateral = rx * depth
    height = ry * depth + AGENT_H
    bx = jnp.floor(depth / RES).astype(jnp.int32)
    by = jnp.floor(lateral / RES + VR / 2.0).astype(jnp.int32)
    bz = jnp.floor(height / Z_RES - MIN_VOX).astype(jnp.int32)
    valid = ((bx >= 0) & (bx < VR) & (by >= 0) & (by < VR)
             & (bz >= 0) & (bz < ZB)
             & (depth >= MIN_DEPTH) & (depth <= MAX_DEPTH))
    cell = jnp.where(valid, bx * VR + by, CELLS)
    vf = valid.astype(jnp.float32)
    zwin = jnp.where((bz >= MIN_MAP_H) & (bz < MAX_MAP_H), vf, 0.0)

    idx_ref[0, :Hd] = cell
    idx_ref[0, Hd:] = jnp.full((HP - Hd, Wd), CELLS, jnp.int32)
    zplane = jnp.zeros((HP, Wd), jnp.float32)
    zrow = jnp.zeros((HP - Hd, Wd), jnp.float32)
    vals_ref[0, 0] = jnp.concatenate([vf, zrow], axis=0)
    for k in range(NUM_SEM):
        vals_ref[0, 1 + k] = jnp.concatenate([obs[1 + k] * vf, zrow], axis=0)
    vals_ref[0, 1 + NUM_SEM] = jnp.concatenate([zwin, zrow], axis=0)
    for k in range(NCH, CW):
        vals_ref[0, k] = zplane


def _prep(obs_ds):
    return pl.pallas_call(
        _prep_body,
        grid=(T,),
        in_specs=[pl.BlockSpec((1, 1 + NUM_SEM, Hd, Wd),
                               lambda t: (t, 0, 0, 0))],
        out_specs=[pl.BlockSpec((1, HP, Wd), lambda t: (t, 0, 0)),
                   pl.BlockSpec((1, CW, HP, Wd), lambda t: (t, 0, 0, 0))],
        out_shape=[jax.ShapeDtypeStruct((T, HP, Wd), jnp.int32),
                   jax.ShapeDtypeStruct((T, CW, HP, Wd), jnp.float32)],
    )(obs_ds)


def _sc_hist(idx_c, vals_r, zrows):
    mesh = plsc.VectorSubcoreMesh(core_axis_name="c", subcore_axis_name="s")

    @functools.partial(
        pl.kernel, mesh=mesh,
        out_type=jax.ShapeDtypeStruct((T, ACC_ROWS, CW), jnp.float32),
        scratch_types=[
            pltpu.VMEM((NCHUNK, CHUNK), jnp.int32),
            pltpu.VMEM((PPT, CW), jnp.float32),
            pltpu.VMEM_SHARED((2, ACC_ROWS, CW), jnp.float32),
        ],
        compiler_params=pltpu.CompilerParams(use_tc_tiling_on_sc=False),
    )
    def k(idx_hbm, vals_hbm, z_hbm, out_hbm, idx_v, vals_v, acc):
        cid = lax.axis_index("c")
        sid = lax.axis_index("s")
        pltpu.sync_copy(z_hbm, acc.at[0, pl.ds(sid * ZROWS, ZROWS)])
        pltpu.sync_copy(z_hbm, acc.at[1, pl.ds(sid * ZROWS, ZROWS)])
        plsc.subcore_barrier()
        for slot in range(2):
            task = slot * 2 + cid
            pltpu.sync_copy(idx_hbm.at[task, sid], idx_v)
            pltpu.sync_copy(vals_hbm.at[task, pl.ds(sid * PPT, PPT)], vals_v)
            acc_slot = acc.at[slot]
            for j in range(NCHUNK):
                pltpu.sync_copy(vals_v.at[pl.ds(j * CHUNK, CHUNK)],
                                acc_slot.at[idx_v.at[j]], add=True)
        plsc.subcore_barrier()
        for slot in range(2):
            task = slot * 2 + cid
            pltpu.sync_copy(acc.at[slot, pl.ds(sid * ZROWS, ZROWS)],
                            out_hbm.at[task, pl.ds(sid * ZROWS, ZROWS)])

    return k(idx_c, vals_r, zrows)


def _asm_body(hist_ref, initl_ref, initg_ref, sh_ref, pt_ref,
              mf_ref, loc_ref, glob_ref):
    b = pl.program_id(0)
    c = pl.program_id(1)
    is2 = c == 2
    is3 = c == 3
    is23 = is2 | is3
    div = jnp.where(c >= 4, CAT_T, 1.0).astype(jnp.float32)
    loc = initl_ref[0, 0]
    row_i = lax.broadcasted_iota(jnp.int32, (LM, LM), 0)
    col_i = lax.broadcasted_iota(jnp.int32, (LM, LM), 1)
    for t in range(L):
        p100 = hist_ref[0, t, 0]
        av = jnp.clip(p100 / div, 0.0, 1.0)
        av = jnp.where(is23, 0.0, av)
        mid = jnp.concatenate([jnp.zeros((VR, X0), jnp.float32), av,
                               jnp.zeros((VR, LM - X0 - VR), jnp.float32)],
                              axis=1)
        full = jnp.concatenate([jnp.zeros((Y0, LM), jnp.float32), mid,
                                jnp.zeros((LM - Y0 - VR, LM), jnp.float32)],
                               axis=0)
        sr = sh_ref[b, t, 0]
        scs = sh_ref[b, t, 1]
        shifted = pltpu.roll(pltpu.roll(full, sr, 0), scs, 1)
        loc = jnp.maximum(loc, shifted)
        pm = ((row_i == pt_ref[b, t, 0])
              & (col_i == pt_ref[b, t, 1])).astype(jnp.float32)
        loc = jnp.where(is2, pm, jnp.where(is3, jnp.maximum(loc, pm), loc))
        mf_ref[0, t, 0] = loc
    loc_ref[0, 0] = loc
    g = initg_ref[0, 0]
    gmid = jnp.concatenate([g[G0:G0 + LM, :G0], loc, g[G0:G0 + LM, G0 + LM:]],
                           axis=1)
    glob_ref[0, 0] = jnp.concatenate([g[:G0], gmid, g[G0 + LM:]], axis=0)


def _hist_map(b, c):
    h = jnp.where(c == 0, 17, jnp.where(c < 4, 0, c - 3))
    return b, 0, h, 0, 0


def _asm(hist_t, init_local_map, init_global_map, sh, pt):
    nch = NON_SEM + NUM_SEM
    return pl.pallas_call(
        _asm_body,
        grid=(B, nch),
        in_specs=[
            pl.BlockSpec((1, L, 1, VR, VR), _hist_map),
            pl.BlockSpec((1, 1, LM, LM), lambda b, c: (b, c, 0, 0)),
            pl.BlockSpec((1, 1, GM, GM), lambda b, c: (b, c, 0, 0)),
            pl.BlockSpec(memory_space=pltpu.SMEM),
            pl.BlockSpec(memory_space=pltpu.SMEM),
        ],
        out_specs=[
            pl.BlockSpec((1, L, 1, LM, LM), lambda b, c: (b, 0, c, 0, 0)),
            pl.BlockSpec((1, 1, LM, LM), lambda b, c: (b, c, 0, 0)),
            pl.BlockSpec((1, 1, GM, GM), lambda b, c: (b, c, 0, 0)),
        ],
        out_shape=[
            jax.ShapeDtypeStruct((B, L, nch, LM, LM), jnp.float32),
            jax.ShapeDtypeStruct((B, nch, LM, LM), jnp.float32),
            jax.ShapeDtypeStruct((B, nch, GM, GM), jnp.float32),
        ],
    )(hist_t, init_local_map, init_global_map, sh, pt)


def kernel(seq_obs, seq_pose_delta, seq_dones, seq_update_global,
           seq_camera_poses, init_local_map, init_global_map,
           init_local_pose, init_global_pose, init_lmb, init_origins):
    c = LM // 2
    pose = init_local_pose
    poses = []
    for t in range(L):
        rad = jnp.deg2rad(pose[:, 2])
        dx = seq_pose_delta[:, t, 0]
        dy = seq_pose_delta[:, t, 1]
        do = seq_pose_delta[:, t, 2]
        nx = pose[:, 0] + dx * jnp.cos(rad) - dy * jnp.sin(rad)
        ny = pose[:, 1] + dx * jnp.sin(rad) + dy * jnp.cos(rad)
        no = jnp.mod(pose[:, 2] + do, 360.0)
        pose = jnp.stack([nx, ny, no], axis=1)
        poses.append(pose)
    rr = [jnp.round(p[:, 1] * 100.0 / RES).astype(jnp.int32) for p in poses]
    cc = [jnp.round(p[:, 0] * 100.0 / RES).astype(jnp.int32) for p in poses]
    sh = jnp.stack([jnp.stack([(r - c) % LM for r in rr], 1),
                    jnp.stack([(q - c) % LM for q in cc], 1)], axis=-1)
    pt = jnp.stack([jnp.stack([jnp.clip(r, 0, LM - 1) for r in rr], 1),
                    jnp.stack([jnp.clip(q, 0, LM - 1) for q in cc], 1)],
                   axis=-1)

    obs_ds = seq_obs[:, :, 3:4 + NUM_SEM, ::DU, ::DU]
    obs_ds = obs_ds.reshape(T, 1 + NUM_SEM, Hd, Wd)
    idx_pix, vals_pix = _prep(obs_ds)
    idx_c = idx_pix.reshape(T, NTILES, NCHUNK, CHUNK)
    vals_r = vals_pix.transpose(0, 2, 3, 1).reshape(T, NPTS, CW)
    zrows = jnp.zeros((ZROWS, CW), jnp.float32)
    hist = _sc_hist(idx_c, vals_r, zrows)[:, :CELLS]
    hist_t = hist.reshape(B, L, VR, VR, CW).transpose(0, 1, 4, 2, 3)
    mf_u, loc, glob = _asm(hist_t, init_local_map, init_global_map,
                           sh.astype(jnp.int32), pt.astype(jnp.int32))
    mf = jnp.concatenate([mf_u[:, :, :NON_SEM], mf_u[:, :, :NON_SEM],
                          mf_u[:, :, NON_SEM:]], axis=2)

    gpose = poses[-1] + init_origins
    lmb = jnp.tile(jnp.array([G0, G0 + LM, G0, G0 + LM], jnp.int32)[None],
                   (B, 1))
    origins = jnp.stack([lmb[:, 2].astype(jnp.float32) * RES / 100.0,
                         lmb[:, 0].astype(jnp.float32) * RES / 100.0,
                         jnp.zeros(B, jnp.float32)], axis=1)
    return mf, loc, glob, poses[-1], gpose, lmb, origins

# --- scband reference (transcript-rebuilt; emitter-appended) ---
"""Pipeline reference for scband-categorical2-dsemantic-map-module-91250875171564 (READ-ONLY COPY).

The authoritative reference and input builder live on the scoring server;
editing this copy changes nothing except your own understanding.
"""

import jax, jax.numpy as jnp
import numpy as np

B = 2; L = 2; NUM_SEM = 16; NON_SEM = 4
H = 480; W = 640; DU = 4
Hd = H // DU; Wd = W // DU
VR = 100; RES = 5; Z_RES = 5
MIN_DEPTH = 20.0; MAX_DEPTH = 500.0
AGENT_H = 88.0; HFOV = 79.0
MAP_SIZE_CM = 2400; GDS = 2
GM = MAP_SIZE_CM // RES
LM = GM // GDS
MIN_VOX = int(-40 / Z_RES); MAX_VOX = int(360 / Z_RES)
ZB = MAX_VOX - MIN_VOX
MIN_MAP_H = int(25 / Z_RES - MIN_VOX)
MAX_MAP_H = int((AGENT_H + 1) / Z_RES - MIN_VOX)
CAT_T = 5.0; EXP_T = 1.0; MAP_T = 1.0
FX = (W / 2.0) / np.tan(np.deg2rad(HFOV / 2.0))
CX = W / 2.0; CY = H / 2.0


def setup_inputs(seed: int = 0):
    key = jax.random.key(seed)
    k1, k2 = jax.random.split(key)
    seq_obs = jax.random.uniform(k1, (B, L, 4 + NUM_SEM, H, W), dtype=jnp.float32)
    seq_pose_delta = jax.random.normal(k2, (B, L, 3), dtype=jnp.float32) * 0.1
    seq_dones = jnp.zeros((B, L), dtype=bool)
    seq_update_global = jnp.ones((B, L), dtype=bool)
    seq_camera_poses = jnp.tile(jnp.eye(4, dtype=jnp.float32)[None], (B, 1, 1))
    init_local_map = jnp.zeros((B, NON_SEM + NUM_SEM, LM, LM), jnp.float32)
    init_global_map = jnp.zeros((B, NON_SEM + NUM_SEM, GM, GM), jnp.float32)
    init_local_pose = jnp.zeros((B, 3), jnp.float32).at[:, :2].set(LM * RES / 100.0 / 2.0)
    init_global_pose = jnp.zeros((B, 3), jnp.float32).at[:, :2].set(GM * RES / 100.0 / 2.0)
    g0 = GM // 2 - LM // 2
    init_lmb = jnp.tile(jnp.array([g0, g0 + LM, g0, g0 + LM], jnp.int32)[None], (B, 1))
    init_origins = jnp.zeros((B, 3), jnp.float32)
    return {
        'seq_obs': seq_obs, 'seq_pose_delta': seq_pose_delta, 'seq_dones': seq_dones,
        'seq_update_global': seq_update_global, 'seq_camera_poses': seq_camera_poses,
        'init_local_map': init_local_map, 'init_global_map': init_global_map,
        'init_local_pose': init_local_pose, 'init_global_pose': init_global_pose,
        'init_lmb': init_lmb, 'init_origins': init_origins,
    }


def _project_and_bin(depth, sem):
    js = jnp.arange(0, W, DU).astype(jnp.float32)
    iss = jnp.arange(0, H, DU).astype(jnp.float32)
    rx = (js[None, :] - CX) / FX
    ry = (CY - iss[:, None]) / FX
    lateral = rx * depth
    height = ry * depth + AGENT_H
    forward = depth
    bx = jnp.floor(forward / RES).astype(jnp.int32)
    by = jnp.floor(lateral / RES + VR / 2.0).astype(jnp.int32)
    bz = jnp.floor(height / Z_RES - MIN_VOX).astype(jnp.int32)
    valid = (bx >= 0) & (bx < VR) & (by >= 0) & (by < VR) & (bz >= 0) & (bz < ZB) & (depth >= MIN_DEPTH) & (depth <= MAX_DEPTH)
    flat = jnp.where(valid, (bx * VR + by) * ZB + bz, 0)
    feats = jnp.concatenate([jnp.ones((1, Hd, Wd), jnp.float32), sem], axis=0)
    feats = feats * valid[None].astype(jnp.float32)
    feats = feats.reshape(1 + NUM_SEM, -1).T
    vox = jnp.zeros((VR * VR * ZB, 1 + NUM_SEM), jnp.float32).at[flat.reshape(-1)].add(feats)
    return vox.reshape(VR, VR, ZB, 1 + NUM_SEM)


def _forward(seq_obs, seq_pose_delta, seq_camera_poses, init_local_map, init_global_map, init_local_pose, init_global_pose, init_origins):
    local_map = init_local_map
    global_map = init_global_map
    pose = init_local_pose
    feats_list = []
    c = LM // 2
    y0 = c; x0 = c - VR // 2
    g0 = GM // 2 - LM // 2
    bidx = jnp.arange(B)
    for t in range(L):
        depth = MIN_DEPTH + seq_obs[:, t, 3] * (MAX_DEPTH - MIN_DEPTH)
        depth = depth[:, ::DU, ::DU]
        sem = seq_obs[:, t, 4:, ::DU, ::DU]
        vox = jax.vmap(_project_and_bin)(depth, sem)
        all_h = vox.sum(axis=3)
        obst = vox[:, :, :, MIN_MAP_H:MAX_MAP_H, 0].sum(axis=3)
        fp_map = jnp.clip(obst / MAP_T, 0.0, 1.0)
        fp_exp = jnp.clip(all_h[..., 0] / EXP_T, 0.0, 1.0)
        sem_pred = jnp.clip(all_h[..., 1:] / CAT_T, 0.0, 1.0).transpose(0, 3, 1, 2)
        agent_view = jnp.zeros((B, NON_SEM + NUM_SEM, LM, LM), jnp.float32)
        agent_view = agent_view.at[:, 0, y0:y0 + VR, x0:x0 + VR].set(fp_map)
        agent_view = agent_view.at[:, 1, y0:y0 + VR, x0:x0 + VR].set(fp_exp)
        agent_view = agent_view.at[:, NON_SEM:, y0:y0 + VR, x0:x0 + VR].set(sem_pred)
        rad = jnp.deg2rad(pose[:, 2])
        dx = seq_pose_delta[:, t, 0]; dy = seq_pose_delta[:, t, 1]; do = seq_pose_delta[:, t, 2]
        nx = pose[:, 0] + dx * jnp.cos(rad) - dy * jnp.sin(rad)
        ny = pose[:, 1] + dx * jnp.sin(rad) + dy * jnp.cos(rad)
        no = jnp.mod(pose[:, 2] + do, 360.0)
        pose = jnp.stack([nx, ny, no], axis=1)
        sr = jnp.round(ny * 100.0 / RES).astype(jnp.int32) - c
        sc = jnp.round(nx * 100.0 / RES).astype(jnp.int32) - c
        shifted = jax.vmap(lambda m, a, b: jnp.roll(jnp.roll(m, a, axis=1), b, axis=2))(agent_view, sr, sc)
        local_map = jnp.maximum(local_map, shifted)
        cr = jnp.clip(jnp.round(ny * 100.0 / RES).astype(jnp.int32), 0, LM - 1)
        cc = jnp.clip(jnp.round(nx * 100.0 / RES).astype(jnp.int32), 0, LM - 1)
        local_map = local_map.at[:, 2].set(0.0)
        local_map = local_map.at[bidx, 2, cr, cc].set(1.0)
        local_map = local_map.at[bidx, 3, cr, cc].set(1.0)
        global_map = global_map.at[:, :, g0:g0 + LM, g0:g0 + LM].set(local_map)
        mf = jnp.concatenate([local_map[:, :NON_SEM], global_map[:, :NON_SEM, g0:g0 + LM, g0:g0 + LM], local_map[:, NON_SEM:]], axis=1)
        feats_list.append(mf)
    seq_map_features = jnp.stack(feats_list, axis=1)
    gpose = pose + init_origins
    lmb = jnp.tile(jnp.array([g0, g0 + LM, g0, g0 + LM], jnp.int32)[None], (B, 1))
    origins = jnp.stack([lmb[:, 2].astype(jnp.float32) * RES / 100.0, lmb[:, 0].astype(jnp.float32) * RES / 100.0, jnp.zeros(B, jnp.float32)], axis=1)
    return seq_map_features, local_map, global_map, pose, gpose, lmb, origins


def reference(seq_obs, seq_pose_delta, seq_dones, seq_update_global, seq_camera_poses, init_local_map, init_global_map, init_local_pose, init_global_pose, init_lmb, init_origins):
    return _forward(seq_obs, seq_pose_delta, seq_camera_poses, init_local_map, init_global_map, init_local_pose, init_global_pose, init_origins)

if __name__ == "__main__":
    import jax
    _d = setup_inputs()
    print(jax.jit(kernel)(*tuple(_d.values())))

</pallas_src>

<mosaic_0001>
#map = affine_map<(d0, d1) -> (0, 0, 0, 0)>
#map1 = affine_map<(d0, d1) -> (0, 0, 0)>
#map2 = affine_map<(d0, d1) -> (0, 0)>
module attributes {stable_mosaic.version = 14 : i64} {
  func.func @k(%arg0: i32, %arg1: i32, %arg2: memref<4x16x10x128xi32, #tpu.memory_space<hbm>>, %arg3: memref<4x20480x32xf32, #tpu.memory_space<hbm>>, %arg4: memref<640x32xf32, #tpu.memory_space<hbm>>, %arg5: memref<4x10240x32xf32, #tpu.memory_space<hbm>>, %arg6: memref<10x128xi32, #tpu.memory_space<vmem>>, %arg7: memref<1280x32xf32, #tpu.memory_space<vmem>>, %arg8: memref<2x10240x32xf32, #tpu.memory_space<vmem_shared>>) attributes {dimension_semantics = [#tpu.dimension_semantics<core_parallel>, #tpu.dimension_semantics<subcore_parallel>], iteration_bounds = array<i64: 2, 16>, scalar_prefetch = 0 : i64, scratch_operands = 3 : i64, tpu.core_type = #tpu.core_type<sc_vector_subcore>, window_params = [{transform_indices = #map}, {transform_indices = #map1}, {transform_indices = #map2}, {transform_indices = #map1}]} {
    %mul3A = arith.constant 640 : i32
    %mul3A_0 = arith.muli %arg1, %mul3A : i32
    %run_scoped3A = arith.constant 0 : i32
    "tpu.region"() ({
      %run_scoped3A_66 = tpu.sem_alloc : memref<!tpu.dma_semaphore, #tpu.memory_space<semaphore_mem>>
      %dma_start3A = arith.constant 0 : i32
      %dma_start3A_67 = tpu.memref_slice %arg8[%run_scoped3A, %mul3A_0, %dma_start3A] : memref<2x10240x32xf32, #tpu.memory_space<vmem_shared>> -> memref<1x640x32xf32, #tpu.memory_space<vmem_shared>>
      %dma_start3A_68 = tpu.memref_squeeze %dma_start3A_67 : memref<1x640x32xf32, #tpu.memory_space<vmem_shared>> -> memref<640x32xf32, #tpu.memory_space<vmem_shared>>
      tpu.enqueue_dma source(%arg4 : memref<640x32xf32, #tpu.memory_space<hbm>>) target(%dma_start3A_68 : memref<640x32xf32, #tpu.memory_space<vmem_shared>>) target_semaphore(%run_scoped3A_66 : memref<!tpu.dma_semaphore, #tpu.memory_space<semaphore_mem>>)
      %dma_wait3A = arith.constant 0 : i32
      %dma_wait3A_69 = tpu.memref_slice %arg8[%run_scoped3A, %mul3A_0, %dma_wait3A] : memref<2x10240x32xf32, #tpu.memory_space<vmem_shared>> -> memref<1x640x32xf32, #tpu.memory_space<vmem_shared>>
      %dma_wait3A_70 = tpu.memref_squeeze %dma_wait3A_69 : memref<1x640x32xf32, #tpu.memory_space<vmem_shared>> -> memref<640x32xf32, #tpu.memory_space<vmem_shared>>
      tpu.wait_dma2 semaphore(%run_scoped3A_66 : memref<!tpu.dma_semaphore, #tpu.memory_space<semaphore_mem>>) src(%arg4 : memref<640x32xf32, #tpu.memory_space<hbm>>) dst(%dma_wait3A_70 : memref<640x32xf32, #tpu.memory_space<vmem_shared>>)
      tpu.yield
    }) : () -> ()
    %mul3A_1 = arith.constant 640 : i32
    %mul3A_2 = arith.muli %arg1, %mul3A_1 : i32
    %run_scoped3A_3 = arith.constant 1 : i32
    "tpu.region"() ({
      %run_scoped3A_66 = tpu.sem_alloc : memref<!tpu.dma_semaphore, #tpu.memory_space<semaphore_mem>>
      %dma_start3A = arith.constant 0 : i32
      %dma_start3A_67 = tpu.memref_slice %arg8[%run_scoped3A_3, %mul3A_2, %dma_start3A] : memref<2x10240x32xf32, #tpu.memory_space<vmem_shared>> -> memref<1x640x32xf32, #tpu.memory_space<vmem_shared>>
      %dma_start3A_68 = tpu.memref_squeeze %dma_start3A_67 : memref<1x640x32xf32, #tpu.memory_space<vmem_shared>> -> memref<640x32xf32, #tpu.memory_space<vmem_shared>>
      tpu.enqueue_dma source(%arg4 : memref<640x32xf32, #tpu.memory_space<hbm>>) target(%dma_start3A_68 : memref<640x32xf32, #tpu.memory_space<vmem_shared>>) target_semaphore(%run_scoped3A_66 : memref<!tpu.dma_semaphore, #tpu.memory_space<semaphore_mem>>)
      %dma_wait3A = arith.constant 0 : i32
      %dma_wait3A_69 = tpu.memref_slice %arg8[%run_scoped3A_3, %mul3A_2, %dma_wait3A] : memref<2x10240x32xf32, #tpu.memory_space<vmem_shared>> -> memref<1x640x32xf32, #tpu.memory_space<vmem_shared>>
      %dma_wait3A_70 = tpu.memref_squeeze %dma_wait3A_69 : memref<1x640x32xf32, #tpu.memory_space<vmem_shared>> -> memref<640x32xf32, #tpu.memory_space<vmem_shared>>
      tpu.wait_dma2 semaphore(%run_scoped3A_66 : memref<!tpu.dma_semaphore, #tpu.memory_space<semaphore_mem>>) src(%arg4 : memref<640x32xf32, #tpu.memory_space<hbm>>) dst(%dma_wait3A_70 : memref<640x32xf32, #tpu.memory_space<vmem_shared>>)
      tpu.yield
    }) : () -> ()
    %barrier3A = arith.constant 0 : index
    tpu.barrier barrier_id(%barrier3A)
    %add3A = arith.constant 0 : i32
    %add3A_4 = arith.addi %add3A, %arg0 : i32
    "tpu.region"() ({
      %run_scoped3A_66 = tpu.sem_alloc : memref<!tpu.dma_semaphore, #tpu.memory_space<semaphore_mem>>
      %dma_start3A = arith.constant 0 : i32
      %dma_start3A_67 = arith.constant 0 : i32
      %dma_start3A_68 = tpu.memref_slice %arg2[%add3A_4, %arg1, %dma_start3A, %dma_start3A_67] : memref<4x16x10x128xi32, #tpu.memory_space<hbm>> -> memref<1x1x10x128xi32, #tpu.memory_space<hbm>>
      %dma_start3A_69 = tpu.memref_squeeze %dma_start3A_68 : memref<1x1x10x128xi32, #tpu.memory_space<hbm>> -> memref<10x128xi32, #tpu.memory_space<hbm>>
      %dma_start3A_70 = arith.constant 0 : i32
      %dma_start3A_71 = arith.constant 0 : i32
      %dma_start3A_72 = tpu.memref_slice %arg2[%add3A_4, %arg1, %dma_start3A_70, %dma_start3A_71] : memref<4x16x10x128xi32, #tpu.memory_space<hbm>> -> memref<1x1x10x128xi32, #tpu.memory_space<hbm>>
      %dma_start3A_73 = tpu.memref_squeeze %dma_start3A_72 : memref<1x1x10x128xi32, #tpu.memory_space<hbm>> -> memref<10x128xi32, #tpu.memory_space<hbm>>
      tpu.enqueue_dma source(%dma_start3A_73 : memref<10x128xi32, #tpu.memory_space<hbm>>) target(%arg6 : memref<10x128xi32, #tpu.memory_space<vmem>>) target_semaphore(%run_scoped3A_66 : memref<!tpu.dma_semaphore, #tpu.memory_space<semaphore_mem>>)
      %dma_wait3A = arith.constant 0 : i32
      %dma_wait3A_74 = arith.constant 0 : i32
      %dma_wait3A_75 = tpu.memref_slice %arg2[%add3A_4, %arg1, %dma_wait3A, %dma_wait3A_74] : memref<4x16x10x128xi32, #tpu.memory_space<hbm>> -> memref<1x1x10x128xi32, #tpu.memory_space<hbm>>
      %dma_wait3A_76 = tpu.memref_squeeze %dma_wait3A_75 : memref<1x1x10x128xi32, #tpu.memory_space<hbm>> -> memref<10x128xi32, #tpu.memory_space<hbm>>
      %dma_wait3A_77 = arith.constant 0 : i32
      %dma_wait3A_78 = arith.constant 0 : i32
      %dma_wait3A_79 = tpu.memref_slice %arg2[%add3A_4, %arg1, %dma_wait3A_77, %dma_wait3A_78] : memref<4x16x10x128xi32, #tpu.memory_space<hbm>> -> memref<1x1x10x128xi32, #tpu.memory_space<hbm>>
      %dma_wait3A_80 = tpu.memref_squeeze %dma_wait3A_79 : memref<1x1x10x128xi32, #tpu.memory_space<hbm>> -> memref<10x128xi32, #tpu.memory_space<hbm>>
      tpu.wait_dma2 semaphore(%run_scoped3A_66 : memref<!tpu.dma_semaphore, #tpu.memory_space<semaphore_mem>>) src(%dma_wait3A_80 : memref<10x128xi32, #tpu.memory_space<hbm>>) dst(%arg6 : memref<10x128xi32, #tpu.memory_space<vmem>>)
      tpu.yield
    }) : () -> ()
    %mul3A_5 = arith.constant 1280 : i32
    %mul3A_6 = arith.muli %arg1, %mul3A_5 : i32
    "tpu.region"() ({
      %run_scoped3A_66 = tpu.sem_alloc : memref<!tpu.dma_semaphore, #tpu.memory_space<semaphore_mem>>
      %dma_start3A = arith.constant 0 : i32
      %dma_start3A_67 = tpu.memref_slice %arg3[%add3A_4, %mul3A_6, %dma_start3A] : memref<4x20480x32xf32, #tpu.memory_space<hbm>> -> memref<1x1280x32xf32, #tpu.memory_space<hbm>>
      %dma_start3A_68 = tpu.memref_squeeze %dma_start3A_67 : memref<1x1280x32xf32, #tpu.memory_space<hbm>> -> memref<1280x32xf32, #tpu.memory_space<hbm>>
      %dma_start3A_69 = arith.constant 0 : i32
      %dma_start3A_70 = tpu.memref_slice %arg3[%add3A_4, %mul3A_6, %dma_start3A_69] : memref<4x20480x32xf32, #tpu.memory_space<hbm>> -> memref<1x1280x32xf32, #tpu.memory_space<hbm>>
      %dma_start3A_71 = tpu.memref_squeeze %dma_start3A_70 : memref<1x1280x32xf32, #tpu.memory_space<hbm>> -> memref<1280x32xf32, #tpu.memory_space<hbm>>
      tpu.enqueue_dma source(%dma_start3A_71 : memref<1280x32xf32, #tpu.memory_space<hbm>>) target(%arg7 : memref<1280x32xf32, #tpu.memory_space<vmem>>) target_semaphore(%run_scoped3A_66 : memref<!tpu.dma_semaphore, #tpu.memory_space<semaphore_mem>>)
      %dma_wait3A = arith.constant 0 : i32
      %dma_wait3A_72 = tpu.memref_slice %arg3[%add3A_4, %mul3A_6, %dma_wait3A] : memref<4x20480x32xf32, #tpu.memory_space<hbm>> -> memref<1x1280x32xf32, #tpu.memory_space<hbm>>
      %dma_wait3A_73 = tpu.memref_squeeze %dma_wait3A_72 : memref<1x1280x32xf32, #tpu.memory_space<hbm>> -> memref<1280x32xf32, #tpu.memory_space<hbm>>
      %dma_wait3A_74 = arith.constant 0 : i32
      %dma_wait3A_75 = tpu.memref_slice %arg3[%add3A_4, %mul3A_6, %dma_wait3A_74] : memref<4x20480x32xf32, #tpu.memory_space<hbm>> -> memref<1x1280x32xf32, #tpu.memory_space<hbm>>
      %dma_wait3A_76 = tpu.memref_squeeze %dma_wait3A_75 : memref<1x1280x32xf32, #tpu.memory_space<hbm>> -> memref<1280x32xf32, #tpu.memory_space<hbm>>
      tpu.wait_dma2 semaphore(%run_scoped3A_66 : memref<!tpu.dma_semaphore, #tpu.memory_space<semaphore_mem>>) src(%dma_wait3A_76 : memref<1280x32xf32, #tpu.memory_space<hbm>>) dst(%arg7 : memref<1280x32xf32, #tpu.memory_space<vmem>>)
      tpu.yield
    }) : () -> ()
    %run_scoped3A_7 = arith.constant 0 : i32
    %run_scoped3A_8 = arith.constant 0 : i32
    "tpu.region"() ({
      %run_scoped3A_66 = tpu.sem_alloc : memref<!tpu.dma_semaphore, #tpu.memory_space<semaphore_mem>>
      %dma_start3A = arith.constant 0 : i32
      %dma_start3A_67 = arith.constant 0 : i32
      %dma_start3A_68 = tpu.memref_slice %arg7[%dma_start3A, %dma_start3A_67] : memref<1280x32xf32, #tpu.memory_space<vmem>> -> memref<128x32xf32, #tpu.memory_space<vmem>>
      %dma_start3A_69 = arith.constant 0 : i32
      %dma_start3A_70 = tpu.memref_slice %arg6[%run_scoped3A_8, %dma_start3A_69] : memref<10x128xi32, #tpu.memory_space<vmem>> -> memref<1x128xi32, #tpu.memory_space<vmem>>
      %dma_start3A_71 = tpu.memref_squeeze %dma_start3A_70 : memref<1x128xi32, #tpu.memory_space<vmem>> -> memref<128xi32, #tpu.memory_space<vmem>>
      %dma_start3A_72 = arith.constant 0 : i32
      %dma_start3A_73 = arith.constant 0 : i32
      %dma_start3A_74 = tpu.memref_slice %arg8[%run_scoped3A_7, %dma_start3A_72, %dma_start3A_73] : memref<2x10240x32xf32, #tpu.memory_space<vmem_shared>> -> memref<1x10240x32xf32, #tpu.memory_space<vmem_shared>>
      %dma_start3A_75 = tpu.memref_squeeze %dma_start3A_74 : memref<1x10240x32xf32, #tpu.memory_space<vmem_shared>> -> memref<10240x32xf32, #tpu.memory_space<vmem_shared>>
      %dma_start3A_76 = arith.constant 0 : i32
      %dma_start3A_77 = arith.constant 0 : i32
      %dma_start3A_78 = tpu.memref_slice %dma_start3A_75[%dma_start3A_76, %dma_start3A_77] : memref<10240x32xf32, #tpu.memory_space<vmem_shared>> -> memref<10240x32xf32, #tpu.memory_space<vmem_shared>>
      tpu.enqueue_indirect_dma source(%dma_start3A_68 : memref<128x32xf32, #tpu.memory_space<vmem>>) target(%dma_start3A_78 : memref<10240x32xf32, #tpu.memory_space<vmem_shared>>) offsets(%dma_start3A_71 : memref<128xi32, #tpu.memory_space<vmem>>) semaphore(%run_scoped3A_66 : memref<!tpu.dma_semaphore, #tpu.memory_space<semaphore_mem>>) {add = true}
      %dma_wait3A = arith.constant 0 : i32
      %dma_wait3A_79 = arith.constant 0 : i32
      %dma_wait3A_80 = tpu.memref_slice %arg7[%dma_wait3A, %dma_wait3A_79] : memref<1280x32xf32, #tpu.memory_space<vmem>> -> memref<128x32xf32, #tpu.memory_space<vmem>>
      %dma_wait3A_81 = arith.constant 0 : i32
      %dma_wait3A_82 = tpu.memref_slice %arg6[%run_scoped3A_8, %dma_wait3A_81] : memref<10x128xi32, #tpu.memory_space<vmem>> -> memref<1x128xi32, #tpu.memory_space<vmem>>
      %dma_wait3A_83 = tpu.memref_squeeze %dma_wait3A_82 : memref<1x128xi32, #tpu.memory_space<vmem>> -> memref<128xi32, #tpu.memory_space<vmem>>
      %dma_wait3A_84 = arith.constant 0 : i32
      %dma_wait3A_85 = arith.constant 0 : i32
      %dma_wait3A_86 = tpu.memref_slice %arg8[%run_scoped3A_7, %dma_wait3A_84, %dma_wait3A_85] : memref<2x10240x32xf32, #tpu.memory_space<vmem_shared>> -> memref<1x10240x32xf32, #tpu.memory_space<vmem_shared>>
      %dma_wait3A_87 = tpu.memref_squeeze %dma_wait3A_86 : memref<1x10240x32xf32, #tpu.memory_space<vmem_shared>> -> memref<10240x32xf32, #tpu.memory_space<vmem_shared>>
      %dma_wait3A_88 = arith.constant 0 : i32
      %dma_wait3A_89 = arith.constant 0 : i32
      %dma_wait3A_90 = tpu.memref_slice %dma_wait3A_87[%dma_wait3A_88, %dma_wait3A_89] : memref<10240x32xf32, #tpu.memory_space<vmem_shared>> -> memref<10240x32xf32, #tpu.memory_space<vmem_shared>>
      tpu.wait_indirect_dma semaphore(%run_scoped3A_66 : memref<!tpu.dma_semaphore, #tpu.memory_space<semaphore_mem>>) src(%dma_wait3A_80 : memref<128x32xf32, #tpu.memory_space<vmem>>) dst(%dma_wait3A_90 : memref<10240x32xf32, #tpu.memory_space<vmem_shared>>)
      tpu.yield
    }) : () -> ()
    %run_scoped3A_9 = arith.constant 0 : i32
    %run_scoped3A_10 = arith.constant 1 : i32
    "tpu.region"() ({
      %run_scoped3A_66 = tpu.sem_alloc : memref<!tpu.dma_semaphore, #tpu.memory_space<semaphore_mem>>
      %dma_start3A = arith.constant 128 : i32
      %dma_start3A_67 = arith.constant 0 : i32
      %dma_start3A_68 = tpu.memref_slice %arg7[%dma_start3A, %dma_start3A_67] : memref<1280x32xf32, #tpu.memory_space<vmem>> -> memref<128x32xf32, #tpu.memory_space<vmem>>
      %dma_start3A_69 = arith.constant 0 : i32
      %dma_start3A_70 = tpu.memref_slice %arg6[%run_scoped3A_10, %dma_start3A_69] : memref<10x128xi32, #tpu.memory_space<vmem>> -> memref<1x128xi32, #tpu.memory_space<vmem>>
      %dma_start3A_71 = tpu.memref_squeeze %dma_start3A_70 : memref<1x128xi32, #tpu.memory_space<vmem>> -> memref<128xi32, #tpu.memory_space<vmem>>
      %dma_start3A_72 = arith.constant 0 : i32
      %dma_start3A_73 = arith.constant 0 : i32
      %dma_start3A_74 = tpu.memref_slice %arg8[%run_scoped3A_9, %dma_start3A_72, %dma_start3A_73] : memref<2x10240x32xf32, #tpu.memory_space<vmem_shared>> -> memref<1x10240x32xf32, #tpu.memory_space<vmem_shared>>
      %dma_start3A_75 = tpu.memref_squeeze %dma_start3A_74 : memref<1x10240x32xf32, #tpu.memory_space<vmem_shared>> -> memref<10240x32xf32, #tpu.memory_space<vmem_shared>>
      %dma_start3A_76 = arith.constant 0 : i32
      %dma_start3A_77 = arith.constant 0 : i32
      %dma_start3A_78 = tpu.memref_slice %dma_start3A_75[%dma_start3A_76, %dma_start3A_77] : memref<10240x32xf32, #tpu.memory_space<vmem_shared>> -> memref<10240x32xf32, #tpu.memory_space<vmem_shared>>
      tpu.enqueue_indirect_dma source(%dma_start3A_68 : memref<128x32xf32, #tpu.memory_space<vmem>>) target(%dma_start3A_78 : memref<10240x32xf32, #tpu.memory_space<vmem_shared>>) offsets(%dma_start3A_71 : memref<128xi32, #tpu.memory_space<vmem>>) semaphore(%run_scoped3A_66 : memref<!tpu.dma_semaphore, #tpu.memory_space<semaphore_mem>>) {add = true}
      %dma_wait3A = arith.constant 128 : i32
      %dma_wait3A_79 = arith.constant 0 : i32
      %dma_wait3A_80 = tpu.memref_slice %arg7[%dma_wait3A, %dma_wait3A_79] : memref<1280x32xf32, #tpu.memory_space<vmem>> -> memref<128x32xf32, #tpu.memory_space<vmem>>
      %dma_wait3A_81 = arith.constant 0 : i32
      %dma_wait3A_82 = tpu.memref_slice %arg6[%run_scoped3A_10, %dma_wait3A_81] : memref<10x128xi32, #tpu.memory_space<vmem>> -> memref<1x128xi32, #tpu.memory_space<vmem>>
      %dma_wait3A_83 = tpu.memref_squeeze %dma_wait3A_82 : memref<1x128xi32, #tpu.memory_space<vmem>> -> memref<128xi32, #tpu.memory_space<vmem>>
      %dma_wait3A_84 = arith.constant 0 : i32
      %dma_wait3A_85 = arith.constant 0 : i32
      %dma_wait3A_86 = tpu.memref_slice %arg8[%run_scoped3A_9, %dma_wait3A_84, %dma_wait3A_85] : memref<2x10240x32xf32, #tpu.memory_space<vmem_shared>> -> memref<1x10240x32xf32, #tpu.memory_space<vmem_shared>>
      %dma_wait3A_87 = tpu.memref_squeeze %dma_wait3A_86 : memref<1x10240x32xf32, #tpu.memory_space<vmem_shared>> -> memref<10240x32xf32, #tpu.memory_space<vmem_shared>>
      %dma_wait3A_88 = arith.constant 0 : i32
      %dma_wait3A_89 = arith.constant 0 : i32
      %dma_wait3A_90 = tpu.memref_slice %dma_wait3A_87[%dma_wait3A_88, %dma_wait3A_89] : memref<10240x32xf32, #tpu.memory_space<vmem_shared>> -> memref<10240x32xf32, #tpu.memory_space<vmem_shared>>
      tpu.wait_indirect_dma semaphore(%run_scoped3A_66 : memref<!tpu.dma_semaphore, #tpu.memory_space<semaphore_mem>>) src(%dma_wait3A_80 : memref<128x32xf32, #tpu.memory_space<vmem>>) dst(%dma_wait3A_90 : memref<10240x32xf32, #tpu.memory_space<vmem_shared>>)
      tpu.yield
    }) : () -> ()
    %run_scoped3A_11 = arith.constant 0 : i32
    %run_scoped3A_12 = arith.constant 2 : i32
    "tpu.region"() ({
      %run_scoped3A_66 = tpu.sem_alloc : memref<!tpu.dma_semaphore, #tpu.memory_space<semaphore_mem>>
      %dma_start3A = arith.constant 256 : i32
      %dma_start3A_67 = arith.constant 0 : i32
      %dma_start3A_68 = tpu.memref_slice %arg7[%dma_start3A, %dma_start3A_67] : memref<1280x32xf32, #tpu.memory_space<vmem>> -> memref<128x32xf32, #tpu.memory_space<vmem>>
      %dma_start3A_69 = arith.constant 0 : i32
      %dma_start3A_70 = tpu.memref_slice %arg6[%run_scoped3A_12, %dma_start3A_69] : memref<10x128xi32, #tpu.memory_space<vmem>> -> memref<1x128xi32, #tpu.memory_space<vmem>>
      %dma_start3A_71 = tpu.memref_squeeze %dma_start3A_70 : memref<1x128xi32, #tpu.memory_space<vmem>> -> memref<128xi32, #tpu.memory_space<vmem>>
      %dma_start3A_72 = arith.constant 0 : i32
      %dma_start3A_73 = arith.constant 0 : i32
      %dma_start3A_74 = tpu.memref_slice %arg8[%run_scoped3A_11, %dma_start3A_72, %dma_start3A_73] : memref<2x10240x32xf32, #tpu.memory_space<vmem_shared>> -> memref<1x10240x32xf32, #tpu.memory_space<vmem_shared>>
      %dma_start3A_75 = tpu.memref_squeeze %dma_start3A_74 : memref<1x10240x32xf32, #tpu.memory_space<vmem_shared>> -> memref<10240x32xf32, #tpu.memory_space<vmem_shared>>
      %dma_start3A_76 = arith.constant 0 : i32
      %dma_start3A_77 = arith.constant 0 : i32
      %dma_start3A_78 = tpu.memref_slice %dma_start3A_75[%dma_start3A_76, %dma_start3A_77] : memref<10240x32xf32, #tpu.memory_space<vmem_shared>> -> memref<10240x32xf32, #tpu.memory_space<vmem_shared>>
      tpu.enqueue_indirect_dma source(%dma_start3A_68 : memref<128x32xf32, #tpu.memory_space<vmem>>) target(%dma_start3A_78 : memref<10240x32xf32, #tpu.memory_space<vmem_shared>>) offsets(%dma_start3A_71 : memref<128xi32, #tpu.memory_space<vmem>>) semaphore(%run_scoped3A_66 : memref<!tpu.dma_semaphore, #tpu.memory_space<semaphore_mem>>) {add = true}
      %dma_wait3A = arith.constant 256 : i32
      %dma_wait3A_79 = arith.constant 0 : i32
      %dma_wait3A_80 = tpu.memref_slice %arg7[%dma_wait3A, %dma_wait3A_79] : memref<1280x32xf32, #tpu.memory_space<vmem>> -> memref<128x32xf32, #tpu.memory_space<vmem>>
      %dma_wait3A_81 = arith.constant 0 : i32
      %dma_wait3A_82 = tpu.memref_slice %arg6[%run_scoped3A_12, %dma_wait3A_81] : memref<10x128xi32, #tpu.memory_space<vmem>> -> memref<1x128xi32, #tpu.memory_space<vmem>>
      %dma_wait3A_83 = tpu.memref_squeeze %dma_wait3A_82 : memref<1x128xi32, #tpu.memory_space<vmem>> -> memref<128xi32, #tpu.memory_space<vmem>>
      %dma_wait3A_84 = arith.constant 0 : i32
      %dma_wait3A_85 = arith.constant 0 : i32
      %dma_wait3A_86 = tpu.memref_slice %arg8[%run_scoped3A_11, %dma_wait3A_84, %dma_wait3A_85] : memref<2x10240x32xf32, #tpu.memory_space<vmem_shared>> -> memref<1x10240x32xf32, #tpu.memory_space<vmem_shared>>
      %dma_wait3A_87 = tpu.memref_squeeze %dma_wait3A_86 : memref<1x10240x32xf32, #tpu.memory_space<vmem_shared>> -> memref<10240x32xf32, #tpu.memory_space<vmem_shared>>
      %dma_wait3A_88 = arith.constant 0 : i32
      %dma_wait3A_89 = arith.constant 0 : i32
      %dma_wait3A_90 = tpu.memref_slice %dma_wait3A_87[%dma_wait3A_88, %dma_wait3A_89] : memref<10240x32xf32, #tpu.memory_space<vmem_shared>> -> memref<10240x32xf32, #tpu.memory_space<vmem_shared>>
      tpu.wait_indirect_dma semaphore(%run_scoped3A_66 : memref<!tpu.dma_semaphore, #tpu.memory_space<semaphore_mem>>) src(%dma_wait3A_80 : memref<128x32xf32, #tpu.memory_space<vmem>>) dst(%dma_wait3A_90 : memref<10240x32xf32, #tpu.memory_space<vmem_shared>>)
      tpu.yield
    }) : () -> ()
    %run_scoped3A_13 = arith.constant 0 : i32
    %run_scoped3A_14 = arith.constant 3 : i32
    "tpu.region"() ({
      %run_scoped3A_66 = tpu.sem_alloc : memref<!tpu.dma_semaphore, #tpu.memory_space<semaphore_mem>>
      %dma_start3A = arith.constant 384 : i32
      %dma_start3A_67 = arith.constant 0 : i32
      %dma_start3A_68 = tpu.memref_slice %arg7[%dma_start3A, %dma_start3A_67] : memref<1280x32xf32, #tpu.memory_space<vmem>> -> memref<128x32xf32, #tpu.memory_space<vmem>>
      %dma_start3A_69 = arith.constant 0 : i32
      %dma_start3A_70 = tpu.memref_slice %arg6[%run_scoped3A_14, %dma_start3A_69] : memref<10x128xi32, #tpu.memory_space<vmem>> -> memref<1x128xi32, #tpu.memory_space<vmem>>
      %dma_start3A_71 = tpu.memref_squeeze %dma_start3A_70 : memref<1x128xi32, #tpu.memory_space<vmem>> -> memref<128xi32, #tpu.memory_space<vmem>>
      %dma_start3A_72 = arith.constant 0 : i32
      %dma_start3A_73 = arith.constant 0 : i32
      %dma_start3A_74 = tpu.memref_slice %arg8[%run_scoped3A_13, %dma_start3A_72, %dma_start3A_73] : memref<2x10240x32xf32, #tpu.memory_space<vmem_shared>> -> memref<1x10240x32xf32, #tpu.memory_space<vmem_shared>>
      %dma_start3A_75 = tpu.memref_squeeze %dma_start3A_74 : memref<1x10240x32xf32, #tpu.memory_space<vmem_shared>> -> memref<10240x32xf32, #tpu.memory_space<vmem_shared>>
      %dma_start3A_76 = arith.constant 0 : i32
      %dma_start3A_77 = arith.constant 0 : i32
      %dma_start3A_78 = tpu.memref_slice %dma_start3A_75[%dma_start3A_76, %dma_start3A_77] : memref<10240x32xf32, #tpu.memory_space<vmem_shared>> -> memref<10240x32xf32, #tpu.memory_space<vmem_shared>>
      tpu.enqueue_indirect_dma source(%dma_start3A_68 : memref<128x32xf32, #tpu.memory_space<vmem>>) target(%dma_start3A_78 : memref<10240x32xf32, #tpu.memory_space<vmem_shared>>) offsets(%dma_start3A_71 : memref<128xi32, #tpu.memory_space<vmem>>) semaphore(%run_scoped3A_66 : memref<!tpu.dma_semaphore, #tpu.memory_space<semaphore_mem>>) {add = true}
      %dma_wait3A = arith.constant 384 : i32
      %dma_wait3A_79 = arith.constant 0 : i32
      %dma_wait3A_80 = tpu.memref_slice %arg7[%dma_wait3A, %dma_wait3A_79] : memref<1280x32xf32, #tpu.memory_space<vmem>> -> memref<128x32xf32, #tpu.memory_space<vmem>>
      %dma_wait3A_81 = arith.constant 0 : i32
      %dma_wait3A_82 = tpu.memref_slice %arg6[%run_scoped3A_14, %dma_wait3A_81] : memref<10x128xi32, #tpu.memory_space<vmem>> -> memref<1x128xi32, #tpu.memory_space<vmem>>
      %dma_wait3A_83 = tpu.memref_squeeze %dma_wait3A_82 : memref<1x128xi32, #tpu.memory_space<vmem>> -> memref<128xi32, #tpu.memory_space<vmem>>
      %dma_wait3A_84 = arith.constant 0 : i32
      %dma_wait3A_85 = arith.constant 0 : i32
      %dma_wait3A_86 = tpu.memref_slice %arg8[%run_scoped3A_13, %dma_wait3A_84, %dma_wait3A_85] : memref<2x10240x32xf32, #tpu.memory_space<vmem_shared>> -> memref<1x10240x32xf32, #tpu.memory_space<vmem_shared>>
      %dma_wait3A_87 = tpu.memref_squeeze %dma_wait3A_86 : memref<1x10240x32xf32, #tpu.memory_space<vmem_shared>> -> memref<10240x32xf32, #tpu.memory_space<vmem_shared>>
      %dma_wait3A_88 = arith.constant 0 : i32
      %dma_wait3A_89 = arith.constant 0 : i32
      %dma_wait3A_90 = tpu.memref_slice %dma_wait3A_87[%dma_wait3A_88, %dma_wait3A_89] : memref<10240x32xf32, #tpu.memory_space<vmem_shared>> -> memref<10240x32xf32, #tpu.memory_space<vmem_shared>>
      tpu.wait_indirect_dma semaphore(%run_scoped3A_66 : memref<!tpu.dma_semaphore, #tpu.memory_space<semaphore_mem>>) src(%dma_wait3A_80 : memref<128x32xf32, #tpu.memory_space<vmem>>) dst(%dma_wait3A_90 : memref<10240x32xf32, #tpu.memory_space<vmem_shared>>)
      tpu.yield
    }) : () -> ()
    %run_scoped3A_15 = arith.constant 0 : i32
    %run_scoped3A_16 = arith.constant 4 : i32
    "tpu.region"() ({
      %run_scoped3A_66 = tpu.sem_alloc : memref<!tpu.dma_semaphore, #tpu.memory_space<semaphore_mem>>
      %dma_start3A = arith.constant 512 : i32
      %dma_start3A_67 = arith.constant 0 : i32
      %dma_start3A_68 = tpu.memref_slice %arg7[%dma_start3A, %dma_start3A_67] : memref<1280x32xf32, #tpu.memory_space<vmem>> -> memref<128x32xf32, #tpu.memory_space<vmem>>
      %dma_start3A_69 = arith.constant 0 : i32
      %dma_start3A_70 = tpu.memref_slice %arg6[%run_scoped3A_16, %dma_start3A_69] : memref<10x128xi32, #tpu.memory_space<vmem>> -> memref<1x128xi32, #tpu.memory_space<vmem>>
      %dma_start3A_71 = tpu.memref_squeeze %dma_start3A_70 : memref<1x128xi32, #tpu.memory_space<vmem>> -> memref<128xi32, #tpu.memory_space<vmem>>
      %dma_start3A_72 = arith.constant 0 : i32
      %dma_start3A_73 = arith.constant 0 : i32
      %dma_start3A_74 = tpu.memref_slice %arg8[%run_scoped3A_15, %dma_start3A_72, %dma_start3A_73] : memref<2x10240x32xf32, #tpu.memory_space<vmem_shared>> -> memref<1x10240x32xf32, #tpu.memory_space<vmem_shared>>
      %dma_start3A_75 = tpu.memref_squeeze %dma_start3A_74 : memref<1x10240x32xf32, #tpu.memory_space<vmem_shared>> -> memref<10240x32xf32, #tpu.memory_space<vmem_shared>>
      %dma_start3A_76 = arith.constant 0 : i32
      %dma_start3A_77 = arith.constant 0 : i32
      %dma_start3A_78 = tpu.memref_slice %dma_start3A_75[%dma_start3A_76, %dma_start3A_77] : memref<10240x32xf32, #tpu.memory_space<vmem_shared>> -> memref<10240x32xf32, #tpu.memory_space<vmem_shared>>
      tpu.enqueue_indirect_dma source(%dma_start3A_68 : memref<128x32xf32, #tpu.memory_space<vmem>>) target(%dma_start3A_78 : memref<10240x32xf32, #tpu.memory_space<vmem_shared>>) offsets(%dma_start3A_71 : memref<128xi32, #tpu.memory_space<vmem>>) semaphore(%run_scoped3A_66 : memref<!tpu.dma_semaphore, #tpu.memory_space<semaphore_mem>>) {add = true}
      %dma_wait3A = arith.constant 512 : i32
      %dma_wait3A_79 = arith.constant 0 : i32
      %dma_wait3A_80 = tpu.memref_slice %arg7[%dma_wait3A, %dma_wait3A_79] : memref<1280x32xf32, #tpu.memory_space<vmem>> -> memref<128x32xf32, #tpu.memory_space<vmem>>
      %dma_wait3A_81 = arith.constant 0 : i32
      %dma_wait3A_82 = tpu.memref_slice %arg6[%run_scoped3A_16, %dma_wait3A_81] : memref<10x128xi32, #tpu.memory_space<vmem>> -> memref<1x128xi32, #tpu.memory_space<vmem>>
      %dma_wait3A_83 = tpu.memref_squeeze %dma_wait3A_82 : memref<1x128xi32, #tpu.memory_space<vmem>> -> memref<128xi32, #tpu.memory_space<vmem>>
      %dma_wait3A_84 = arith.constant 0 : i32
      %dma_wait3A_85 = arith.constant 0 : i32
      %dma_wait3A_86 = tpu.memref_slice %arg8[%run_scoped3A_15, %dma_wait3A_84, %dma_wait3A_85] : memref<2x10240x32xf32, #tpu.memory_space<vmem_shared>> -> memref<1x10240x32xf32, #tpu.memory_space<vmem_shared>>
      %dma_wait3A_87 = tpu.memref_squeeze %dma_wait3A_86 : memref<1x10240x32xf32, #tpu.memory_space<vmem_shared>> -> memref<10240x32xf32, #tpu.memory_space<vmem_shared>>
      %dma_wait3A_88 = arith.constant 0 : i32
      %dma_wait3A_89 = arith.constant 0 : i32
      %dma_wait3A_90 = tpu.memref_slice %dma_wait3A_87[%dma_wait3A_88, %dma_wait3A_89] : memref<10240x32xf32, #tpu.memory_space<vmem_shared>> -> memref<10240x32xf32, #tpu.memory_space<vmem_shared>>
      tpu.wait_indirect_dma semaphore(%run_scoped3A_66 : memref<!tpu.dma_semaphore, #tpu.memory_space<semaphore_mem>>) src(%dma_wait3A_80 : memref<128x32xf32, #tpu.memory_space<vmem>>) dst(%dma_wait3A_90 : memref<10240x32xf32, #tpu.memory_space<vmem_shared>>)
      tpu.yield
    }) : () -> ()
    %run_scoped3A_17 = arith.constant 0 : i32
    %run_scoped3A_18 = arith.constant 5 : i32
    "tpu.region"() ({
      %run_scoped3A_66 = tpu.sem_alloc : memref<!tpu.dma_semaphore, #tpu.memory_space<semaphore_mem>>
      %dma_start3A = arith.constant 640 : i32
      %dma_start3A_67 = arith.constant 0 : i32
      %dma_start3A_68 = tpu.memref_slice %arg7[%dma_start3A, %dma_start3A_67] : memref<1280x32xf32, #tpu.memory_space<vmem>> -> memref<128x32xf32, #tpu.memory_space<vmem>>
      %dma_start3A_69 = arith.constant 0 : i32
      %dma_start3A_70 = tpu.memref_slice %arg6[%run_scoped3A_18, %dma_start3A_69] : memref<10x128xi32, #tpu.memory_space<vmem>> -> memref<1x128xi32, #tpu.memory_space<vmem>>
      %dma_start3A_71 = tpu.memref_squeeze %dma_start3A_70 : memref<1x128xi32, #tpu.memory_space<vmem>> -> memref<128xi32, #tpu.memory_space<vmem>>
      %dma_start3A_72 = arith.constant 0 : i32
      %dma_start3A_73 = arith.constant 0 : i32
      %dma_start3A_74 = tpu.memref_slice %arg8[%run_scoped3A_17, %dma_start3A_72, %dma_start3A_73] : memref<2x10240x32xf32, #tpu.memory_space<vmem_shared>> -> memref<1x10240x32xf32, #tpu.memory_space<vmem_shared>>
      %dma_start3A_75 = tpu.memref_squeeze %dma_start3A_74 : memref<1x10240x32xf32, #tpu.memory_space<vmem_shared>> -> memref<10240x32xf32, #tpu.memory_space<vmem_shared>>
      %dma_start3A_76 = arith.constant 0 : i32
      %dma_start3A_77 = arith.constant 0 : i32
      %dma_start3A_78 = tpu.memref_slice %dma_start3A_75[%dma_start3A_76, %dma_start3A_77] : memref<10240x32xf32, #tpu.memory_space<vmem_shared>> -> memref<10240x32xf32, #tpu.memory_space<vmem_shared>>
      tpu.enqueue_indirect_dma source(%dma_start3A_68 : memref<128x32xf32, #tpu.memory_space<vmem>>) target(%dma_start3A_78 : memref<10240x32xf32, #tpu.memory_space<vmem_shared>>) offsets(%dma_start3A_71 : memref<128xi32, #tpu.memory_space<vmem>>) semaphore(%run_scoped3A_66 : memref<!tpu.dma_semaphore, #tpu.memory_space<semaphore_mem>>) {add = true}
      %dma_wait3A = arith.constant 640 : i32
      %dma_wait3A_79 = arith.constant 0 : i32
      %dma_wait3A_80 = tpu.memref_slice %arg7[%dma_wait3A, %dma_wait3A_79] : memref<1280x32xf32, #tpu.memory_space<vmem>> -> memref<128x32xf32, #tpu.memory_space<vmem>>
      %dma_wait3A_81 = arith.constant 0 : i32
      %dma_wait3A_82 = tpu.memref_slice %arg6[%run_scoped3A_18, %dma_wait3A_81] : memref<10x128xi32, #tpu.memory_space<vmem>> -> memref<1x128xi32, #tpu.memory_space<vmem>>
      %dma_wait3A_83 = tpu.memref_squeeze %dma_wait3A_82 : memref<1x128xi32, #tpu.memory_space<vmem>> -> memref<128xi32, #tpu.memory_space<vmem>>
      %dma_wait3A_84 = arith.constant 0 : i32
      %dma_wait3A_85 = arith.constant 0 : i32
      %dma_wait3A_86 = tpu.memref_slice %arg8[%run_scoped3A_17, %dma_wait3A_84, %dma_wait3A_85] : memref<2x10240x32xf32, #tpu.memory_space<vmem_shared>> -> memref<1x10240x32xf32, #tpu.memory_space<vmem_shared>>
      %dma_wait3A_87 = tpu.memref_squeeze %dma_wait3A_86 : memref<1x10240x32xf32, #tpu.memory_space<vmem_shared>> -> memref<10240x32xf32, #tpu.memory_space<vmem_shared>>
      %dma_wait3A_88 = arith.constant 0 : i32
      %dma_wait3A_89 = arith.constant 0 : i32
      %dma_wait3A_90 = tpu.memref_slice %dma_wait3A_87[%dma_wait3A_88, %dma_wait3A_89] : memref<10240x32xf32, #tpu.memory_space<vmem_shared>> -> memref<10240x32xf32, #tpu.memory_space<vmem_shared>>
      tpu.wait_indirect_dma semaphore(%run_scoped3A_66 : memref<!tpu.dma_semaphore, #tpu.memory_space<semaphore_mem>>) src(%dma_wait3A_80 : memref<128x32xf32, #tpu.memory_space<vmem>>) dst(%dma_wait3A_90 : memref<10240x32xf32, #tpu.memory_space<vmem_shared>>)
      tpu.yield
    }) : () -> ()
    %run_scoped3A_19 = arith.constant 0 : i32
    %run_scoped3A_20 = arith.constant 6 : i32
    "tpu.region"() ({
      %run_scoped3A_66 = tpu.sem_alloc : memref<!tpu.dma_semaphore, #tpu.memory_space<semaphore_mem>>
      %dma_start3A = arith.constant 768 : i32
      %dma_start3A_67 = arith.constant 0 : i32
      %dma_start3A_68 = tpu.memref_slice %arg7[%dma_start3A, %dma_start3A_67] : memref<1280x32xf32, #tpu.memory_space<vmem>> -> memref<128x32xf32, #tpu.memory_space<vmem>>
      %dma_start3A_69 = arith.constant 0 : i32
      %dma_start3A_70 = tpu.memref_slice %arg6[%run_scoped3A_20, %dma_start3A_69] : memref<10x128xi32, #tpu.memory_space<vmem>> -> memref<1x128xi32, #tpu.memory_space<vmem>>
      %dma_start3A_71 = tpu.memref_squeeze %dma_start3A_70 : memref<1x128xi32, #tpu.memory_space<vmem>> -> memref<128xi32, #tpu.memory_space<vmem>>
      %dma_start3A_72 = arith.constant 0 : i32
      %dma_start3A_73 = arith.constant 0 : i32
      %dma_start3A_74 = tpu.memref_slice %arg8[%run_scoped3A_19, %dma_start3A_72, %dma_start3A_73] : memref<2x10240x32xf32, #tpu.memory_space<vmem_shared>> -> memref<1x10240x32xf32, #tpu.memory_space<vmem_shared>>
      %dma_start3A_75 = tpu.memref_squeeze %dma_start3A_74 : memref<1x10240x32xf32, #tpu.memory_space<vmem_shared>> -> memref<10240x32xf32, #tpu.memory_space<vmem_shared>>
      %dma_start3A_76 = arith.constant 0 : i32
      %dma_start3A_77 = arith.constant 0 : i32
      %dma_start3A_78 = tpu.memref_slice %dma_start3A_75[%dma_start3A_76, %dma_start3A_77] : memref<10240x32xf32, #tpu.memory_space<vmem_shared>> -> memref<10240x32xf32, #tpu.memory_space<vmem_shared>>
      tpu.enqueue_indirect_dma source(%dma_start3A_68 : memref<128x32xf32, #tpu.memory_space<vmem>>) target(%dma_start3A_78 : memref<10240x32xf32, #tpu.memory_space<vmem_shared>>) offsets(%dma_start3A_71 : memref<128xi32, #tpu.memory_space<vmem>>) semaphore(%run_scoped3A_66 : memref<!tpu.dma_semaphore, #tpu.memory_space<semaphore_mem>>) {add = true}
      %dma_wait3A = arith.constant 768 : i32
      %dma_wait3A_79 = arith.constant 0 : i32
      %dma_wait3A_80 = tpu.memref_slice %arg7[%dma_wait3A, %dma_wait3A_79] : memref<1280x32xf32, #tpu.memory_space<vmem>> -> memref<128x32xf32, #tpu.memory_space<vmem>>
      %dma_wait3A_81 = arith.constant 0 : i32
      %dma_wait3A_82 = tpu.memref_slice %arg6[%run_scoped3A_20, %dma_wait3A_81] : memref<10x128xi32, #tpu.memory_space<vmem>> -> memref<1x128xi32, #tpu.memory_space<vmem>>
      %dma_wait3A_83 = tpu.memref_squeeze %dma_wait3A_82 : memref<1x128xi32, #tpu.memory_space<vmem>> -> memref<128xi32, #tpu.memory_space<vmem>>
      %dma_wait3A_84 = arith.constant 0 : i32
      %dma_wait3A_85 = arith.constant 0 : i32
      %dma_wait3A_86 = tpu.memref_slice %arg8[%run_scoped3A_19, %dma_wait3A_84, %dma_wait3A_85] : memref<2x10240x32xf32, #tpu.memory_space<vmem_shared>> -> memref<1x10240x32xf32, #tpu.memory_space<vmem_shared>>
      %dma_wait3A_87 = tpu.memref_squeeze %dma_wait3A_86 : memref<1x10240x32xf32, #tpu.memory_space<vmem_shared>> -> memref<10240x32xf32, #tpu.memory_space<vmem_shared>>
      %dma_wait3A_88 = arith.constant 0 : i32
      %dma_wait3A_89 = arith.constant 0 : i32
      %dma_wait3A_90 = tpu.memref_slice %dma_wait3A_87[%dma_wait3A_88, %dma_wait3A_89] : memref<10240x32xf32, #tpu.memory_space<vmem_shared>> -> memref<10240x32xf32, #tpu.memory_space<vmem_shared>>
      tpu.wait_indirect_dma semaphore(%run_scoped3A_66 : memref<!tpu.dma_semaphore, #tpu.memory_space<semaphore_mem>>) src(%dma_wait3A_80 : memref<128x32xf32, #tpu.memory_space<vmem>>) dst(%dma_wait3A_90 : memref<10240x32xf32, #tpu.memory_space<vmem_shared>>)
      tpu.yield
    }) : () -> ()
    %run_scoped3A_21 = arith.constant 0 : i32
    %run_scoped3A_22 = arith.constant 7 : i32
    "tpu.region"() ({
      %run_scoped3A_66 = tpu.sem_alloc : memref<!tpu.dma_semaphore, #tpu.memory_space<semaphore_mem>>
      %dma_start3A = arith.constant 896 : i32
      %dma_start3A_67 = arith.constant 0 : i32
      %dma_start3A_68 = tpu.memref_slice %arg7[%dma_start3A, %dma_start3A_67] : memref<1280x32xf32, #tpu.memory_space<vmem>> -> memref<128x32xf32, #tpu.memory_space<vmem>>
      %dma_start3A_69 = arith.constant 0 : i32
      %dma_start3A_70 = tpu.memref_slice %arg6[%run_scoped3A_22, %dma_start3A_69] : memref<10x128xi32, #tpu.memory_space<vmem>> -> memref<1x128xi32, #tpu.memory_space<vmem>>
      %dma_start3A_71 = tpu.memref_squeeze %dma_start3A_70 : memref<1x128xi32, #tpu.memory_space<vmem>> -> memref<128xi32, #tpu.memory_space<vmem>>
      %dma_start3A_72 = arith.constant 0 : i32
      %dma_start3A_73 = arith.constant 0 : i32
      %dma_start3A_74 = tpu.memref_slice %arg8[%run_scoped3A_21, %dma_start3A_72, %dma_start3A_73] : memref<2x10240x32xf32, #tpu.memory_space<vmem_shared>> -> memref<1x10240x32xf32, #tpu.memory_space<vmem_shared>>
      %dma_start3A_75 = tpu.memref_squeeze %dma_start3A_74 : memref<1x10240x32xf32, #tpu.memory_space<vmem_shared>> -> memref<10240x32xf32, #tpu.memory_space<vmem_shared>>
      %dma_start3A_76 = arith.constant 0 : i32
      %dma_start3A_77 = arith.constant 0 : i32
      %dma_start3A_78 = tpu.memref_slice %dma_start3A_75[%dma_start3A_76, %dma_start3A_77] : memref<10240x32xf32, #tpu.memory_space<vmem_shared>> -> memref<10240x32xf32, #tpu.memory_space<vmem_shared>>
      tpu.enqueue_indirect_dma source(%dma_start3A_68 : memref<128x32xf32, #tpu.memory_space<vmem>>) target(%dma_start3A_78 : memref<10240x32xf32, #tpu.memory_space<vmem_shared>>) offsets(%dma_start3A_71 : memref<128xi32, #tpu.memory_space<vmem>>) semaphore(%run_scoped3A_66 : memref<!tpu.dma_semaphore, #tpu.memory_space<semaphore_mem>>) {add = true}
      %dma_wait3A = arith.constant 896 : i32
      %dma_wait3A_79 = arith.constant 0 : i32
      %dma_wait3A_80 = tpu.memref_slice %arg7[%dma_wait3A, %dma_wait3A_79] : memref<1280x32xf32, #tpu.memory_space<vmem>> -> memref<128x32xf32, #tpu.memory_space<vmem>>
      %dma_wait3A_81 = arith.constant 0 : i32
      %dma_wait3A_82 = tpu.memref_slice %arg6[%run_scoped3A_22, %dma_wait3A_81] : memref<10x128xi32, #tpu.memory_space<vmem>> -> memref<1x128xi32, #tpu.memory_space<vmem>>
      %dma_wait3A_83 = tpu.memref_squeeze %dma_wait3A_82 : memref<1x128xi32, #tpu.memory_space<vmem>> -> memref<128xi32, #tpu.memory_space<vmem>>
      %dma_wait3A_84 = arith.constant 0 : i32
      %dma_wait3A_85 = arith.constant 0 : i32
      %dma_wait3A_86 = tpu.memref_slice %arg8[%run_scoped3A_21, %dma_wait3A_84, %dma_wait3A_85] : memref<2x10240x32xf32, #tpu.memory_space<vmem_shared>> -> memref<1x10240x32xf32, #tpu.memory_space<vmem_shared>>
      %dma_wait3A_87 = tpu.memref_squeeze %dma_wait3A_86 : memref<1x10240x32xf32, #tpu.memory_space<vmem_shared>> -> memref<10240x32xf32, #tpu.memory_space<vmem_shared>>
      %dma_wait3A_88 = arith.constant 0 : i32
      %dma_wait3A_89 = arith.constant 0 : i32
      %dma_wait3A_90 = tpu.memref_slice %dma_wait3A_87[%dma_wait3A_88, %dma_wait3A_89] : memref<10240x32xf32, #tpu.memory_space<vmem_shared>> -> memref<10240x32xf32, #tpu.memory_space<vmem_shared>>
      tpu.wait_indirect_dma semaphore(%run_scoped3A_66 : memref<!tpu.dma_semaphore, #tpu.memory_space<semaphore_mem>>) src(%dma_wait3A_80 : memref<128x32xf32, #tpu.memory_space<vmem>>) dst(%dma_wait3A_90 : memref<10240x32xf32, #tpu.memory_space<vmem_shared>>)
      tpu.yield
    }) : () -> ()
    %run_scoped3A_23 = arith.constant 0 : i32
    %run_scoped3A_24 = arith.constant 8 : i32
    "tpu.region"() ({
      %run_scoped3A_66 = tpu.sem_alloc : memref<!tpu.dma_semaphore, #tpu.memory_space<semaphore_mem>>
      %dma_start3A = arith.constant 1024 : i32
      %dma_start3A_67 = arith.constant 0 : i32
      %dma_start3A_68 = tpu.memref_slice %arg7[%dma_start3A, %dma_start3A_67] : memref<1280x32xf32, #tpu.memory_space<vmem>> -> memref<128x32xf32, #tpu.memory_space<vmem>>
      %dma_start3A_69 = arith.constant 0 : i32
      %dma_start3A_70 = tpu.memref_slice %arg6[%run_scoped3A_24, %dma_start3A_69] : memref<10x128xi32, #tpu.memory_space<vmem>> -> memref<1x128xi32, #tpu.memory_space<vmem>>
      %dma_start3A_71 = tpu.memref_squeeze %dma_start3A_70 : memref<1x128xi32, #tpu.memory_space<vmem>> -> memref<128xi32, #tpu.memory_space<vmem>>
      %dma_start3A_72 = arith.constant 0 : i32
      %dma_start3A_73 = arith.constant 0 : i32
      %dma_start3A_74 = tpu.memref_slice %arg8[%run_scoped3A_23, %dma_start3A_72, %dma_start3A_73] : memref<2x10240x32xf32, #tpu.memory_space<vmem_shared>> -> memref<1x10240x32xf32, #tpu.memory_space<vmem_shared>>
      %dma_start3A_75 = tpu.memref_squeeze %dma_start3A_74 : memref<1x10240x32xf32, #tpu.memory_space<vmem_shared>> -> memref<10240x32xf32, #tpu.memory_space<vmem_shared>>
      %dma_start3A_76 = arith.constant 0 : i32
      %dma_start3A_77 = arith.constant 0 : i32
      %dma_start3A_78 = tpu.memref_slice %dma_start3A_75[%dma_start3A_76, %dma_start3A_77] : memref<10240x32xf32, #tpu.memory_space<vmem_shared>> -> memref<10240x32xf32, #tpu.memory_space<vmem_shared>>
      tpu.enqueue_indirect_dma source(%dma_start3A_68 : memref<128x32xf32, #tpu.memory_space<vmem>>) target(%dma_start3A_78 : memref<10240x32xf32, #tpu.memory_space<vmem_shared>>) offsets(%dma_start3A_71 : memref<128xi32, #tpu.memory_space<vmem>>) semaphore(%run_scoped3A_66 : memref<!tpu.dma_semaphore, #tpu.memory_space<semaphore_mem>>) {add = true}
      %dma_wait3A = arith.constant 1024 : i32
      %dma_wait3A_79 = arith.constant 0 : i32
      %dma_wait3A_80 = tpu.memref_slice %arg7[%dma_wait3A, %dma_wait3A_79] : memref<1280x32xf32, #tpu.memory_space<vmem>> -> memref<128x32xf32, #tpu.memory_space<vmem>>
      %dma_wait3A_81 = arith.constant 0 : i32
      %dma_wait3A_82 = tpu.memref_slice %arg6[%run_scoped3A_24, %dma_wait3A_81] : memref<10x128xi32, #tpu.memory_space<vmem>> -> memref<1x128xi32, #tpu.memory_space<vmem>>
      %dma_wait3A_83 = tpu.memref_squeeze %dma_wait3A_82 : memref<1x128xi32, #tpu.memory_space<vmem>> -> memref<128xi32, #tpu.memory_space<vmem>>
      %dma_wait3A_84 = arith.constant 0 : i32
      %dma_wait3A_85 = arith.constant 0 : i32
      %dma_wait3A_86 = tpu.memref_slice %arg8[%run_scoped3A_23, %dma_wait3A_84, %dma_wait3A_85] : memref<2x10240x32xf32, #tpu.memory_space<vmem_shared>> -> memref<1x10240x32xf32, #tpu.memory_space<vmem_shared>>
      %dma_wait3A_87 = tpu.memref_squeeze %dma_wait3A_86 : memref<1x10240x32xf32, #tpu.memory_space<vmem_shared>> -> memref<10240x32xf32, #tpu.memory_space<vmem_shared>>
      %dma_wait3A_88 = arith.constant 0 : i32
      %dma_wait3A_89 = arith.constant 0 : i32
      %dma_wait3A_90 = tpu.memref_slice %dma_wait3A_87[%dma_wait3A_88, %dma_wait3A_89] : memref<10240x32xf32, #tpu.memory_space<vmem_shared>> -> memref<10240x32xf32, #tpu.memory_space<vmem_shared>>
      tpu.wait_indirect_dma semaphore(%run_scoped3A_66 : memref<!tpu.dma_semaphore, #tpu.memory_space<semaphore_mem>>) src(%dma_wait3A_80 : memref<128x32xf32, #tpu.memory_space<vmem>>) dst(%dma_wait3A_90 : memref<10240x32xf32, #tpu.memory_space<vmem_shared>>)
      tpu.yield
    }) : () -> ()
    %run_scoped3A_25 = arith.constant 0 : i32
    %run_scoped3A_26 = arith.constant 9 : i32
    "tpu.region"() ({
      %run_scoped3A_66 = tpu.sem_alloc : memref<!tpu.dma_semaphore, #tpu.memory_space<semaphore_mem>>
      %dma_start3A = arith.constant 1152 : i32
      %dma_start3A_67 = arith.constant 0 : i32
      %dma_start3A_68 = tpu.memref_slice %arg7[%dma_start3A, %dma_start3A_67] : memref<1280x32xf32, #tpu.memory_space<vmem>> -> memref<128x32xf32, #tpu.memory_space<vmem>>
      %dma_start3A_69 = arith.constant 0 : i32
      %dma_start3A_70 = tpu.memref_slice %arg6[%run_scoped3A_26, %dma_start3A_69] : memref<10x128xi32, #tpu.memory_space<vmem>> -> memref<1x128xi32, #tpu.memory_space<vmem>>
      %dma_start3A_71 = tpu.memref_squeeze %dma_start3A_70 : memref<1x128xi32, #tpu.memory_space<vmem>> -> memref<128xi32, #tpu.memory_space<vmem>>
      %dma_start3A_72 = arith.constant 0 : i32
      %dma_start3A_73 = arith.constant 0 : i32
      %dma_start3A_74 = tpu.memref_slice %arg8[%run_scoped3A_25, %dma_start3A_72, %dma_start3A_73] : memref<2x10240x32xf32, #tpu.memory_space<vmem_shared>> -> memref<1x10240x32xf32, #tpu.memory_space<vmem_shared>>
      %dma_start3A_75 = tpu.memref_squeeze %dma_start3A_74 : memref<1x10240x32xf32, #tpu.memory_space<vmem_shared>> -> memref<10240x32xf32, #tpu.memory_space<vmem_shared>>
      %dma_start3A_76 = arith.constant 0 : i32
      %dma_start3A_77 = arith.constant 0 : i32
      %dma_start3A_78 = tpu.memref_slice %dma_start3A_75[%dma_start3A_76, %dma_start3A_77] : memref<10240x32xf32, #tpu.memory_space<vmem_shared>> -> memref<10240x32xf32, #tpu.memory_space<vmem_shared>>
      tpu.enqueue_indirect_dma source(%dma_start3A_68 : memref<128x32xf32, #tpu.memory_space<vmem>>) target(%dma_start3A_78 : memref<10240x32xf32, #tpu.memory_space<vmem_shared>>) offsets(%dma_start3A_71 : memref<128xi32, #tpu.memory_space<vmem>>) semaphore(%run_scoped3A_66 : memref<!tpu.dma_semaphore, #tpu.memory_space<semaphore_mem>>) {add = true}
      %dma_wait3A = arith.constant 1152 : i32
      %dma_wait3A_79 = arith.constant 0 : i32
      %dma_wait3A_80 = tpu.memref_slice %arg7[%dma_wait3A, %dma_wait3A_79] : memref<1280x32xf32, #tpu.memory_space<vmem>> -> memref<128x32xf32, #tpu.memory_space<vmem>>
      %dma_wait3A_81 = arith.constant 0 : i32
      %dma_wait3A_82 = tpu.memref_slice %arg6[%run_scoped3A_26, %dma_wait3A_81] : memref<10x128xi32, #tpu.memory_space<vmem>> -> memref<1x128xi32, #tpu.memory_space<vmem>>
      %dma_wait3A_83 = tpu.memref_squeeze %dma_wait3A_82 : memref<1x128xi32, #tpu.memory_space<vmem>> -> memref<128xi32, #tpu.memory_space<vmem>>
      %dma_wait3A_84 = arith.constant 0 : i32
      %dma_wait3A_85 = arith.constant 0 : i32
      %dma_wait3A_86 = tpu.memref_slice %arg8[%run_scoped3A_25, %dma_wait3A_84, %dma_wait3A_85] : memref<2x10240x32xf32, #tpu.memory_space<vmem_shared>> -> memref<1x10240x32xf32, #tpu.memory_space<vmem_shared>>
      %dma_wait3A_87 = tpu.memref_squeeze %dma_wait3A_86 : memref<1x10240x32xf32, #tpu.memory_space<vmem_shared>> -> memref<10240x32xf32, #tpu.memory_space<vmem_shared>>
      %dma_wait3A_88 = arith.constant 0 : i32
      %dma_wait3A_89 = arith.constant 0 : i32
      %dma_wait3A_90 = tpu.memref_slice %dma_wait3A_87[%dma_wait3A_88, %dma_wait3A_89] : memref<10240x32xf32, #tpu.memory_space<vmem_shared>> -> memref<10240x32xf32, #tpu.memory_space<vmem_shared>>
      tpu.wait_indirect_dma semaphore(%run_scoped3A_66 : memref<!tpu.dma_semaphore, #tpu.memory_space<semaphore_mem>>) src(%dma_wait3A_80 : memref<128x32xf32, #tpu.memory_space<vmem>>) dst(%dma_wait3A_90 : memref<10240x32xf32, #tpu.memory_space<vmem_shared>>)
      tpu.yield
    }) : () -> ()
    %add3A_27 = arith.constant 2 : i32
    %add3A_28 = arith.addi %add3A_27, %arg0 : i32
    "tpu.region"() ({
      %run_scoped3A_66 = tpu.sem_alloc : memref<!tpu.dma_semaphore, #tpu.memory_space<semaphore_mem>>
      %dma_start3A = arith.constant 0 : i32
      %dma_start3A_67 = arith.constant 0 : i32
      %dma_start3A_68 = tpu.memref_slice %arg2[%add3A_28, %arg1, %dma_start3A, %dma_start3A_67] : memref<4x16x10x128xi32, #tpu.memory_space<hbm>> -> memref<1x1x10x128xi32, #tpu.memory_space<hbm>>
      %dma_start3A_69 = tpu.memref_squeeze %dma_start3A_68 : memref<1x1x10x128xi32, #tpu.memory_space<hbm>> -> memref<10x128xi32, #tpu.memory_space<hbm>>
      %dma_start3A_70 = arith.constant 0 : i32
      %dma_start3A_71 = arith.constant 0 : i32
      %dma_start3A_72 = tpu.memref_slice %arg2[%add3A_28, %arg1, %dma_start3A_70, %dma_start3A_71] : memref<4x16x10x128xi32, #tpu.memory_space<hbm>> -> memref<1x1x10x128xi32, #tpu.memory_space<hbm>>
      %dma_start3A_73 = tpu.memref_squeeze %dma_start3A_72 : memref<1x1x10x128xi32, #tpu.memory_space<hbm>> -> memref<10x128xi32, #tpu.memory_space<hbm>>
      tpu.enqueue_dma source(%dma_start3A_73 : memref<10x128xi32, #tpu.memory_space<hbm>>) target(%arg6 : memref<10x128xi32, #tpu.memory_space<vmem>>) target_semaphore(%run_scoped3A_66 : memref<!tpu.dma_semaphore, #tpu.memory_space<semaphore_mem>>)
      %dma_wait3A = arith.constant 0 : i32
      %dma_wait3A_74 = arith.constant 0 : i32
      %dma_wait3A_75 = tpu.memref_slice %arg2[%add3A_28, %arg1, %dma_wait3A, %dma_wait3A_74] : memref<4x16x10x128xi32, #tpu.memory_space<hbm>> -> memref<1x1x10x128xi32, #tpu.memory_space<hbm>>
      %dma_wait3A_76 = tpu.memref_squeeze %dma_wait3A_75 : memref<1x1x10x128xi32, #tpu.memory_space<hbm>> -> memref<10x128xi32, #tpu.memory_space<hbm>>
      %dma_wait3A_77 = arith.constant 0 : i32
      %dma_wait3A_78 = arith.constant 0 : i32
      %dma_wait3A_79 = tpu.memref_slice %arg2[%add3A_28, %arg1, %dma_wait3A_77, %dma_wait3A_78] : memref<4x16x10x128xi32, #tpu.memory_space<hbm>> -> memref<1x1x10x128xi32, #tpu.memory_space<hbm>>
      %dma_wait3A_80 = tpu.memref_squeeze %dma_wait3A_79 : memref<1x1x10x128xi32, #tpu.memory_space<hbm>> -> memref<10x128xi32, #tpu.memory_space<hbm>>
      tpu.wait_dma2 semaphore(%run_scoped3A_66 : memref<!tpu.dma_semaphore, #tpu.memory_space<semaphore_mem>>) src(%dma_wait3A_80 : memref<10x128xi32, #tpu.memory_space<hbm>>) dst(%arg6 : memref<10x128xi32, #tpu.memory_space<vmem>>)
      tpu.yield
    }) : () -> ()
    %mul3A_29 = arith.constant 1280 : i32
    %mul3A_30 = arith.muli %arg1, %mul3A_29 : i32
    "tpu.region"() ({
      %run_scoped3A_66 = tpu.sem_alloc : memref<!tpu.dma_semaphore, #tpu.memory_space<semaphore_mem>>
      %dma_start3A = arith.constant 0 : i32
      %dma_start3A_67 = tpu.memref_slice %arg3[%add3A_28, %mul3A_30, %dma_start3A] : memref<4x20480x32xf32, #tpu.memory_space<hbm>> -> memref<1x1280x32xf32, #tpu.memory_space<hbm>>
      %dma_start3A_68 = tpu.memref_squeeze %dma_start3A_67 : memref<1x1280x32xf32, #tpu.memory_space<hbm>> -> memref<1280x32xf32, #tpu.memory_space<hbm>>
      %dma_start3A_69 = arith.constant 0 : i32
      %dma_start3A_70 = tpu.memref_slice %arg3[%add3A_28, %mul3A_30, %dma_start3A_69] : memref<4x20480x32xf32, #tpu.memory_space<hbm>> -> memref<1x1280x32xf32, #tpu.memory_space<hbm>>
      %dma_start3A_71 = tpu.memref_squeeze %dma_start3A_70 : memref<1x1280x32xf32, #tpu.memory_space<hbm>> -> memref<1280x32xf32, #tpu.memory_space<hbm>>
      tpu.enqueue_dma source(%dma_start3A_71 : memref<1280x32xf32, #tpu.memory_space<hbm>>) target(%arg7 : memref<1280x32xf32, #tpu.memory_space<vmem>>) target_semaphore(%run_scoped3A_66 : memref<!tpu.dma_semaphore, #tpu.memory_space<semaphore_mem>>)
      %dma_wait3A = arith.constant 0 : i32
      %dma_wait3A_72 = tpu.memref_slice %arg3[%add3A_28, %mul3A_30, %dma_wait3A] : memref<4x20480x32xf32, #tpu.memory_space<hbm>> -> memref<1x1280x32xf32, #tpu.memory_space<hbm>>
      %dma_wait3A_73 = tpu.memref_squeeze %dma_wait3A_72 : memref<1x1280x32xf32, #tpu.memory_space<hbm>> -> memref<1280x32xf32, #tpu.memory_space<hbm>>
      %dma_wait3A_74 = arith.constant 0 : i32
      %dma_wait3A_75 = tpu.memref_slice %arg3[%add3A_28, %mul3A_30, %dma_wait3A_74] : memref<4x20480x32xf32, #tpu.memory_space<hbm>> -> memref<1x1280x32xf32, #tpu.memory_space<hbm>>
      %dma_wait3A_76 = tpu.memref_squeeze %dma_wait3A_75 : memref<1x1280x32xf32, #tpu.memory_space<hbm>> -> memref<1280x32xf32, #tpu.memory_space<hbm>>
      tpu.wait_dma2 semaphore(%run_scoped3A_66 : memref<!tpu.dma_semaphore, #tpu.memory_space<semaphore_mem>>) src(%dma_wait3A_76 : memref<1280x32xf32, #tpu.memory_space<hbm>>) dst(%arg7 : memref<1280x32xf32, #tpu.memory_space<vmem>>)
      tpu.yield
    }) : () -> ()
    %run_scoped3A_31 = arith.constant 1 : i32
    %run_scoped3A_32 = arith.constant 0 : i32
    "tpu.region"() ({
      %run_scoped3A_66 = tpu.sem_alloc : memref<!tpu.dma_semaphore, #tpu.memory_space<semaphore_mem>>
      %dma_start3A = arith.constant 0 : i32
      %dma_start3A_67 = arith.constant 0 : i32
      %dma_start3A_68 = tpu.memref_slice %arg7[%dma_start3A, %dma_start3A_67] : memref<1280x32xf32, #tpu.memory_space<vmem>> -> memref<128x32xf32, #tpu.memory_space<vmem>>
      %dma_start3A_69 = arith.constant 0 : i32
      %dma_start3A_70 = tpu.memref_slice %arg6[%run_scoped3A_32, %dma_start3A_69] : memref<10x128xi32, #tpu.memory_space<vmem>> -> memref<1x128xi32, #tpu.memory_space<vmem>>
      %dma_start3A_71 = tpu.memref_squeeze %dma_start3A_70 : memref<1x128xi32, #tpu.memory_space<vmem>> -> memref<128xi32, #tpu.memory_space<vmem>>
      %dma_start3A_72 = arith.constant 0 : i32
      %dma_start3A_73 = arith.constant 0 : i32
      %dma_start3A_74 = tpu.memref_slice %arg8[%run_scoped3A_31, %dma_start3A_72, %dma_start3A_73] : memref<2x10240x32xf32, #tpu.memory_space<vmem_shared>> -> memref<1x10240x32xf32, #tpu.memory_space<vmem_shared>>
      %dma_start3A_75 = tpu.memref_squeeze %dma_start3A_74 : memref<1x10240x32xf32, #tpu.memory_space<vmem_shared>> -> memref<10240x32xf32, #tpu.memory_space<vmem_shared>>
      %dma_start3A_76 = arith.constant 0 : i32
      %dma_start3A_77 = arith.constant 0 : i32
      %dma_start3A_78 = tpu.memref_slice %dma_start3A_75[%dma_start3A_76, %dma_start3A_77] : memref<10240x32xf32, #tpu.memory_space<vmem_shared>> -> memref<10240x32xf32, #tpu.memory_space<vmem_shared>>
      tpu.enqueue_indirect_dma source(%dma_start3A_68 : memref<128x32xf32, #tpu.memory_space<vmem>>) target(%dma_start3A_78 : memref<10240x32xf32, #tpu.memory_space<vmem_shared>>) offsets(%dma_start3A_71 : memref<128xi32, #tpu.memory_space<vmem>>) semaphore(%run_scoped3A_66 : memref<!tpu.dma_semaphore, #tpu.memory_space<semaphore_mem>>) {add = true}
      %dma_wait3A = arith.constant 0 : i32
      %dma_wait3A_79 = arith.constant 0 : i32
      %dma_wait3A_80 = tpu.memref_slice %arg7[%dma_wait3A, %dma_wait3A_79] : memref<1280x32xf32, #tpu.memory_space<vmem>> -> memref<128x32xf32, #tpu.memory_space<vmem>>
      %dma_wait3A_81 = arith.constant 0 : i32
      %dma_wait3A_82 = tpu.memref_slice %arg6[%run_scoped3A_32, %dma_wait3A_81] : memref<10x128xi32, #tpu.memory_space<vmem>> -> memref<1x128xi32, #tpu.memory_space<vmem>>
      %dma_wait3A_83 = tpu.memref_squeeze %dma_wait3A_82 : memref<1x128xi32, #tpu.memory_space<vmem>> -> memref<128xi32, #tpu.memory_space<vmem>>
      %dma_wait3A_84 = arith.constant 0 : i32
      %dma_wait3A_85 = arith.constant 0 : i32
      %dma_wait3A_86 = tpu.memref_slice %arg8[%run_scoped3A_31, %dma_wait3A_84, %dma_wait3A_85] : memref<2x10240x32xf32, #tpu.memory_space<vmem_shared>> -> memref<1x10240x32xf32, #tpu.memory_space<vmem_shared>>
      %dma_wait3A_87 = tpu.memref_squeeze %dma_wait3A_86 : memref<1x10240x32xf32, #tpu.memory_space<vmem_shared>> -> memref<10240x32xf32, #tpu.memory_space<vmem_shared>>
      %dma_wait3A_88 = arith.constant 0 : i32
      %dma_wait3A_89 = arith.constant 0 : i32
      %dma_wait3A_90 = tpu.memref_slice %dma_wait3A_87[%dma_wait3A_88, %dma_wait3A_89] : memref<10240x32xf32, #tpu.memory_space<vmem_shared>> -> memref<10240x32xf32, #tpu.memory_space<vmem_shared>>
      tpu.wait_indirect_dma semaphore(%run_scoped3A_66 : memref<!tpu.dma_semaphore, #tpu.memory_space<semaphore_mem>>) src(%dma_wait3A_80 : memref<128x32xf32, #tpu.memory_space<vmem>>) dst(%dma_wait3A_90 : memref<10240x32xf32, #tpu.memory_space<vmem_shared>>)
      tpu.yield
    }) : () -> ()
    %run_scoped3A_33 = arith.constant 1 : i32
    %run_scoped3A_34 = arith.constant 1 : i32
    "tpu.region"() ({
      %run_scoped3A_66 = tpu.sem_alloc : memref<!tpu.dma_semaphore, #tpu.memory_space<semaphore_mem>>
      %dma_start3A = arith.constant 128 : i32
      %dma_start3A_67 = arith.constant 0 : i32
      %dma_start3A_68 = tpu.memref_slice %arg7[%dma_start3A, %dma_start3A_67] : memref<1280x32xf32, #tpu.memory_space<vmem>> -> memref<128x32xf32, #tpu.memory_space<vmem>>
      %dma_start3A_69 = arith.constant 0 : i32
      %dma_start3A_70 = tpu.memref_slice %arg6[%run_scoped3A_34, %dma_start3A_69] : memref<10x128xi32, #tpu.memory_space<vmem>> -> memref<1x128xi32, #tpu.memory_space<vmem>>
      %dma_start3A_71 = tpu.memref_squeeze %dma_start3A_70 : memref<1x128xi32, #tpu.memory_space<vmem>> -> memref<128xi32, #tpu.memory_space<vmem>>
      %dma_start3A_72 = arith.constant 0 : i32
      %dma_start3A_73 = arith.constant 0 : i32
      %dma_start3A_74 = tpu.memref_slice %arg8[%run_scoped3A_33, %dma_start3A_72, %dma_start3A_73] : memref<2x10240x32xf32, #tpu.memory_space<vmem_shared>> -> memref<1x10240x32xf32, #tpu.memory_space<vmem_shared>>
      %dma_start3A_75 = tpu.memref_squeeze %dma_start3A_74 : memref<1x10240x32xf32, #tpu.memory_space<vmem_shared>> -> memref<10240x32xf32, #tpu.memory_space<vmem_shared>>
      %dma_start3A_76 = arith.constant 0 : i32
      %dma_start3A_77 = arith.constant 0 : i32
      %dma_start3A_78 = tpu.memref_slice %dma_start3A_75[%dma_start3A_76, %dma_start3A_77] : memref<10240x32xf32, #tpu.memory_space<vmem_shared>> -> memref<10240x32xf32, #tpu.memory_space<vmem_shared>>
      tpu.enqueue_indirect_dma source(%dma_start3A_68 : memref<128x32xf32, #tpu.memory_space<vmem>>) target(%dma_start3A_78 : memref<10240x32xf32, #tpu.memory_space<vmem_shared>>) offsets(%dma_start3A_71 : memref<128xi32, #tpu.memory_space<vmem>>) semaphore(%run_scoped3A_66 : memref<!tpu.dma_semaphore, #tpu.memory_space<semaphore_mem>>) {add = true}
      %dma_wait3A = arith.constant 128 : i32
      %dma_wait3A_79 = arith.constant 0 : i32
      %dma_wait3A_80 = tpu.memref_slice %arg7[%dma_wait3A, %dma_wait3A_79] : memref<1280x32xf32, #tpu.memory_space<vmem>> -> memref<128x32xf32, #tpu.memory_space<vmem>>
      %dma_wait3A_81 = arith.constant 0 : i32
      %dma_wait3A_82 = tpu.memref_slice %arg6[%run_scoped3A_34, %dma_wait3A_81] : memref<10x128xi32, #tpu.memory_space<vmem>> -> memref<1x128xi32, #tpu.memory_space<vmem>>
      %dma_wait3A_83 = tpu.memref_squeeze %dma_wait3A_82 : memref<1x128xi32, #tpu.memory_space<vmem>> -> memref<128xi32, #tpu.memory_space<vmem>>
      %dma_wait3A_84 = arith.constant 0 : i32
      %dma_wait3A_85 = arith.constant 0 : i32
      %dma_wait3A_86 = tpu.memref_slice %arg8[%run_scoped3A_33, %dma_wait3A_84, %dma_wait3A_85] : memref<2x10240x32xf32, #tpu.memory_space<vmem_shared>> -> memref<1x10240x32xf32, #tpu.memory_space<vmem_shared>>
      %dma_wait3A_87 = tpu.memref_squeeze %dma_wait3A_86 : memref<1x10240x32xf32, #tpu.memory_space<vmem_shared>> -> memref<10240x32xf32, #tpu.memory_space<vmem_shared>>
      %dma_wait3A_88 = arith.constant 0 : i32
      %dma_wait3A_89 = arith.constant 0 : i32
      %dma_wait3A_90 = tpu.memref_slice %dma_wait3A_87[%dma_wait3A_88, %dma_wait3A_89] : memref<10240x32xf32, #tpu.memory_space<vmem_shared>> -> memref<10240x32xf32, #tpu.memory_space<vmem_shared>>
      tpu.wait_indirect_dma semaphore(%run_scoped3A_66 : memref<!tpu.dma_semaphore, #tpu.memory_space<semaphore_mem>>) src(%dma_wait3A_80 : memref<128x32xf32, #tpu.memory_space<vmem>>) dst(%dma_wait3A_90 : memref<10240x32xf32, #tpu.memory_space<vmem_shared>>)
      tpu.yield
    }) : () -> ()
    %run_scoped3A_35 = arith.constant 1 : i32
    %run_scoped3A_36 = arith.constant 2 : i32
    "tpu.region"() ({
      %run_scoped3A_66 = tpu.sem_alloc : memref<!tpu.dma_semaphore, #tpu.memory_space<semaphore_mem>>
      %dma_start3A = arith.constant 256 : i32
      %dma_start3A_67 = arith.constant 0 : i32
      %dma_start3A_68 = tpu.memref_slice %arg7[%dma_start3A, %dma_start3A_67] : memref<1280x32xf32, #tpu.memory_space<vmem>> -> memref<128x32xf32, #tpu.memory_space<vmem>>
      %dma_start3A_69 = arith.constant 0 : i32
      %dma_start3A_70 = tpu.memref_slice %arg6[%run_scoped3A_36, %dma_start3A_69] : memref<10x128xi32, #tpu.memory_space<vmem>> -> memref<1x128xi32, #tpu.memory_space<vmem>>
      %dma_start3A_71 = tpu.memref_squeeze %dma_start3A_70 : memref<1x128xi32, #tpu.memory_space<vmem>> -> memref<128xi32, #tpu.memory_space<vmem>>
      %dma_start3A_72 = arith.constant 0 : i32
      %dma_start3A_73 = arith.constant 0 : i32
      %dma_start3A_74 = tpu.memref_slice %arg8[%run_scoped3A_35, %dma_start3A_72, %dma_start3A_73] : memref<2x10240x32xf32, #tpu.memory_space<vmem_shared>> -> memref<1x10240x32xf32, #tpu.memory_space<vmem_shared>>
      %dma_start3A_75 = tpu.memref_squeeze %dma_start3A_74 : memref<1x10240x32xf32, #tpu.memory_space<vmem_shared>> -> memref<10240x32xf32, #tpu.memory_space<vmem_shared>>
      %dma_start3A_76 = arith.constant 0 : i32
      %dma_start3A_77 = arith.constant 0 : i32
      %dma_start3A_78 = tpu.memref_slice %dma_start3A_75[%dma_start3A_76, %dma_start3A_77] : memref<10240x32xf32, #tpu.memory_space<vmem_shared>> -> memref<10240x32xf32, #tpu.memory_space<vmem_shared>>
      tpu.enqueue_indirect_dma source(%dma_start3A_68 : memref<128x32xf32, #tpu.memory_space<vmem>>) target(%dma_start3A_78 : memref<10240x32xf32, #tpu.memory_space<vmem_shared>>) offsets(%dma_start3A_71 : memref<128xi32, #tpu.memory_space<vmem>>) semaphore(%run_scoped3A_66 : memref<!tpu.dma_semaphore, #tpu.memory_space<semaphore_mem>>) {add = true}
      %dma_wait3A = arith.constant 256 : i32
      %dma_wait3A_79 = arith.constant 0 : i32
      %dma_wait3A_80 = tpu.memref_slice %arg7[%dma_wait3A, %dma_wait3A_79] : memref<1280x32xf32, #tpu.memory_space<vmem>> -> memref<128x32xf32, #tpu.memory_space<vmem>>
      %dma_wait3A_81 = arith.constant 0 : i32
      %dma_wait3A_82 = tpu.memref_slice %arg6[%run_scoped3A_36, %dma_wait3A_81] : memref<10x128xi32, #tpu.memory_space<vmem>> -> memref<1x128xi32, #tpu.memory_space<vmem>>
      %dma_wait3A_83 = tpu.memref_squeeze %dma_wait3A_82 : memref<1x128xi32, #tpu.memory_space<vmem>> -> memref<128xi32, #tpu.memory_space<vmem>>
      %dma_wait3A_84 = arith.constant 0 : i32
      %dma_wait3A_85 = arith.constant 0 : i32
      %dma_wait3A_86 = tpu.memref_slice %arg8[%run_scoped3A_35, %dma_wait3A_84, %dma_wait3A_85] : memref<2x10240x32xf32, #tpu.memory_space<vmem_shared>> -> memref<1x10240x32xf32, #tpu.memory_space<vmem_shared>>
      %dma_wait3A_87 = tpu.memref_squeeze %dma_wait3A_86 : memref<1x10240x32xf32, #tpu.memory_space<vmem_shared>> -> memref<10240x32xf32, #tpu.memory_space<vmem_shared>>
      %dma_wait3A_88 = arith.constant 0 : i32
      %dma_wait3A_89 = arith.constant 0 : i32
      %dma_wait3A_90 = tpu.memref_slice %dma_wait3A_87[%dma_wait3A_88, %dma_wait3A_89] : memref<10240x32xf32, #tpu.memory_space<vmem_shared>> -> memref<10240x32xf32, #tpu.memory_space<vmem_shared>>
      tpu.wait_indirect_dma semaphore(%run_scoped3A_66 : memref<!tpu.dma_semaphore, #tpu.memory_space<semaphore_mem>>) src(%dma_wait3A_80 : memref<128x32xf32, #tpu.memory_space<vmem>>) dst(%dma_wait3A_90 : memref<10240x32xf32, #tpu.memory_space<vmem_shared>>)
      tpu.yield
    }) : () -> ()
    %run_scoped3A_37 = arith.constant 1 : i32
    %run_scoped3A_38 = arith.constant 3 : i32
    "tpu.region"() ({
      %run_scoped3A_66 = tpu.sem_alloc : memref<!tpu.dma_semaphore, #tpu.memory_space<semaphore_mem>>
      %dma_start3A = arith.constant 384 : i32
      %dma_start3A_67 = arith.constant 0 : i32
      %dma_start3A_68 = tpu.memref_slice %arg7[%dma_start3A, %dma_start3A_67] : memref<1280x32xf32, #tpu.memory_space<vmem>> -> memref<128x32xf32, #tpu.memory_space<vmem>>
      %dma_start3A_69 = arith.constant 0 : i32
      %dma_start3A_70 = tpu.memref_slice %arg6[%run_scoped3A_38, %dma_start3A_69] : memref<10x128xi32, #tpu.memory_space<vmem>> -> memref<1x128xi32, #tpu.memory_space<vmem>>
      %dma_start3A_71 = tpu.memref_squeeze %dma_start3A_70 : memref<1x128xi32, #tpu.memory_space<vmem>> -> memref<128xi32, #tpu.memory_space<vmem>>
      %dma_start3A_72 = arith.constant 0 : i32
      %dma_start3A_73 = arith.constant 0 : i32
      %dma_start3A_74 = tpu.memref_slice %arg8[%run_scoped3A_37, %dma_start3A_72, %dma_start3A_73] : memref<2x10240x32xf32, #tpu.memory_space<vmem_shared>> -> memref<1x10240x32xf32, #tpu.memory_space<vmem_shared>>
      %dma_start3A_75 = tpu.memref_squeeze %dma_start3A_74 : memref<1x10240x32xf32, #tpu.memory_space<vmem_shared>> -> memref<10240x32xf32, #tpu.memory_space<vmem_shared>>
      %dma_start3A_76 = arith.constant 0 : i32
      %dma_start3A_77 = arith.constant 0 : i32
      %dma_start3A_78 = tpu.memref_slice %dma_start3A_75[%dma_start3A_76, %dma_start3A_77] : memref<10240x32xf32, #tpu.memory_space<vmem_shared>> -> memref<10240x32xf32, #tpu.memory_space<vmem_shared>>
      tpu.enqueue_indirect_dma source(%dma_start3A_68 : memref<128x32xf32, #tpu.memory_space<vmem>>) target(%dma_start3A_78 : memref<10240x32xf32, #tpu.memory_space<vmem_shared>>) offsets(%dma_start3A_71 : memref<128xi32, #tpu.memory_space<vmem>>) semaphore(%run_scoped3A_66 : memref<!tpu.dma_semaphore, #tpu.memory_space<semaphore_mem>>) {add = true}
      %dma_wait3A = arith.constant 384 : i32
      %dma_wait3A_79 = arith.constant 0 : i32
      %dma_wait3A_80 = tpu.memref_slice %arg7[%dma_wait3A, %dma_wait3A_79] : memref<1280x32xf32, #tpu.memory_space<vmem>> -> memref<128x32xf32, #tpu.memory_space<vmem>>
      %dma_wait3A_81 = arith.constant 0 : i32
      %dma_wait3A_82 = tpu.memref_slice %arg6[%run_scoped3A_38, %dma_wait3A_81] : memref<10x128xi32, #tpu.memory_space<vmem>> -> memref<1x128xi32, #tpu.memory_space<vmem>>
      %dma_wait3A_83 = tpu.memref_squeeze %dma_wait3A_82 : memref<1x128xi32, #tpu.memory_space<vmem>> -> memref<128xi32, #tpu.memory_space<vmem>>
      %dma_wait3A_84 = arith.constant 0 : i32
      %dma_wait3A_85 = arith.constant 0 : i32
      %dma_wait3A_86 = tpu.memref_slice %arg8[%run_scoped3A_37, %dma_wait3A_84, %dma_wait3A_85] : memref<2x10240x32xf32, #tpu.memory_space<vmem_shared>> -> memref<1x10240x32xf32, #tpu.memory_space<vmem_shared>>
      %dma_wait3A_87 = tpu.memref_squeeze %dma_wait3A_86 : memref<1x10240x32xf32, #tpu.memory_space<vmem_shared>> -> memref<10240x32xf32, #tpu.memory_space<vmem_shared>>
      %dma_wait3A_88 = arith.constant 0 : i32
      %dma_wait3A_89 = arith.constant 0 : i32
      %dma_wait3A_90 = tpu.memref_slice %dma_wait3A_87[%dma_wait3A_88, %dma_wait3A_89] : memref<10240x32xf32, #tpu.memory_space<vmem_shared>> -> memref<10240x32xf32, #tpu.memory_space<vmem_shared>>
      tpu.wait_indirect_dma semaphore(%run_scoped3A_66 : memref<!tpu.dma_semaphore, #tpu.memory_space<semaphore_mem>>) src(%dma_wait3A_80 : memref<128x32xf32, #tpu.memory_space<vmem>>) dst(%dma_wait3A_90 : memref<10240x32xf32, #tpu.memory_space<vmem_shared>>)
      tpu.yield
    }) : () -> ()
    %run_scoped3A_39 = arith.constant 1 : i32
    %run_scoped3A_40 = arith.constant 4 : i32
    "tpu.region"() ({
      %run_scoped3A_66 = tpu.sem_alloc : memref<!tpu.dma_semaphore, #tpu.memory_space<semaphore_mem>>
      %dma_start3A = arith.constant 512 : i32
      %dma_start3A_67 = arith.constant 0 : i32
      %dma_start3A_68 = tpu.memref_slice %arg7[%dma_start3A, %dma_start3A_67] : memref<1280x32xf32, #tpu.memory_space<vmem>> -> memref<128x32xf32, #tpu.memory_space<vmem>>
      %dma_start3A_69 = arith.constant 0 : i32
      %dma_start3A_70 = tpu.memref_slice %arg6[%run_scoped3A_40, %dma_start3A_69] : memref<10x128xi32, #tpu.memory_space<vmem>> -> memref<1x128xi32, #tpu.memory_space<vmem>>
      %dma_start3A_71 = tpu.memref_squeeze %dma_start3A_70 : memref<1x128xi32, #tpu.memory_space<vmem>> -> memref<128xi32, #tpu.memory_space<vmem>>
      %dma_start3A_72 = arith.constant 0 : i32
      %dma_start3A_73 = arith.constant 0 : i32
      %dma_start3A_74 = tpu.memref_slice %arg8[%run_scoped3A_39, %dma_start3A_72, %dma_start3A_73] : memref<2x10240x32xf32, #tpu.memory_space<vmem_shared>> -> memref<1x10240x32xf32, #tpu.memory_space<vmem_shared>>
      %dma_start3A_75 = tpu.memref_squeeze %dma_start3A_74 : memref<1x10240x32xf32, #tpu.memory_space<vmem_shared>> -> memref<10240x32xf32, #tpu.memory_space<vmem_shared>>
      %dma_start3A_76 = arith.constant 0 : i32
      %dma_start3A_77 = arith.constant 0 : i32
      %dma_start3A_78 = tpu.memref_slice %dma_start3A_75[%dma_start3A_76, %dma_start3A_77] : memref<10240x32xf32, #tpu.memory_space<vmem_shared>> -> memref<10240x32xf32, #tpu.memory_space<vmem_shared>>
      tpu.enqueue_indirect_dma source(%dma_start3A_68 : memref<128x32xf32, #tpu.memory_space<vmem>>) target(%dma_start3A_78 : memref<10240x32xf32, #tpu.memory_space<vmem_shared>>) offsets(%dma_start3A_71 : memref<128xi32, #tpu.memory_space<vmem>>) semaphore(%run_scoped3A_66 : memref<!tpu.dma_semaphore, #tpu.memory_space<semaphore_mem>>) {add = true}
      %dma_wait3A = arith.constant 512 : i32
      %dma_wait3A_79 = arith.constant 0 : i32
      %dma_wait3A_80 = tpu.memref_slice %arg7[%dma_wait3A, %dma_wait3A_79] : memref<1280x32xf32, #tpu.memory_space<vmem>> -> memref<128x32xf32, #tpu.memory_space<vmem>>
      %dma_wait3A_81 = arith.constant 0 : i32
      %dma_wait3A_82 = tpu.memref_slice %arg6[%run_scoped3A_40, %dma_wait3A_81] : memref<10x128xi32, #tpu.memory_space<vmem>> -> memref<1x128xi32, #tpu.memory_space<vmem>>
      %dma_wait3A_83 = tpu.memref_squeeze %dma_wait3A_82 : memref<1x128xi32, #tpu.memory_space<vmem>> -> memref<128xi32, #tpu.memory_space<vmem>>
      %dma_wait3A_84 = arith.constant 0 : i32
      %dma_wait3A_85 = arith.constant 0 : i32
      %dma_wait3A_86 = tpu.memref_slice %arg8[%run_scoped3A_39, %dma_wait3A_84, %dma_wait3A_85] : memref<2x10240x32xf32, #tpu.memory_space<vmem_shared>> -> memref<1x10240x32xf32, #tpu.memory_space<vmem_shared>>
      %dma_wait3A_87 = tpu.memref_squeeze %dma_wait3A_86 : memref<1x10240x32xf32, #tpu.memory_space<vmem_shared>> -> memref<10240x32xf32, #tpu.memory_space<vmem_shared>>
      %dma_wait3A_88 = arith.constant 0 : i32
      %dma_wait3A_89 = arith.constant 0 : i32
      %dma_wait3A_90 = tpu.memref_slice %dma_wait3A_87[%dma_wait3A_88, %dma_wait3A_89] : memref<10240x32xf32, #tpu.memory_space<vmem_shared>> -> memref<10240x32xf32, #tpu.memory_space<vmem_shared>>
      tpu.wait_indirect_dma semaphore(%run_scoped3A_66 : memref<!tpu.dma_semaphore, #tpu.memory_space<semaphore_mem>>) src(%dma_wait3A_80 : memref<128x32xf32, #tpu.memory_space<vmem>>) dst(%dma_wait3A_90 : memref<10240x32xf32, #tpu.memory_space<vmem_shared>>)
      tpu.yield
    }) : () -> ()
    %run_scoped3A_41 = arith.constant 1 : i32
    %run_scoped3A_42 = arith.constant 5 : i32
    "tpu.region"() ({
      %run_scoped3A_66 = tpu.sem_alloc : memref<!tpu.dma_semaphore, #tpu.memory_space<semaphore_mem>>
      %dma_start3A = arith.constant 640 : i32
      %dma_start3A_67 = arith.constant 0 : i32
      %dma_start3A_68 = tpu.memref_slice %arg7[%dma_start3A, %dma_start3A_67] : memref<1280x32xf32, #tpu.memory_space<vmem>> -> memref<128x32xf32, #tpu.memory_space<vmem>>
      %dma_start3A_69 = arith.constant 0 : i32
      %dma_start3A_70 = tpu.memref_slice %arg6[%run_scoped3A_42, %dma_start3A_69] : memref<10x128xi32, #tpu.memory_space<vmem>> -> memref<1x128xi32, #tpu.memory_space<vmem>>
      %dma_start3A_71 = tpu.memref_squeeze %dma_start3A_70 : memref<1x128xi32, #tpu.memory_space<vmem>> -> memref<128xi32, #tpu.memory_space<vmem>>
      %dma_start3A_72 = arith.constant 0 : i32
      %dma_start3A_73 = arith.constant 0 : i32
      %dma_start3A_74 = tpu.memref_slice %arg8[%run_scoped3A_41, %dma_start3A_72, %dma_start3A_73] : memref<2x10240x32xf32, #tpu.memory_space<vmem_shared>> -> memref<1x10240x32xf32, #tpu.memory_space<vmem_shared>>
      %dma_start3A_75 = tpu.memref_squeeze %dma_start3A_74 : memref<1x10240x32xf32, #tpu.memory_space<vmem_shared>> -> memref<10240x32xf32, #tpu.memory_space<vmem_shared>>
      %dma_start3A_76 = arith.constant 0 : i32
      %dma_start3A_77 = arith.constant 0 : i32
      %dma_start3A_78 = tpu.memref_slice %dma_start3A_75[%dma_start3A_76, %dma_start3A_77] : memref<10240x32xf32, #tpu.memory_space<vmem_shared>> -> memref<10240x32xf32, #tpu.memory_space<vmem_shared>>
      tpu.enqueue_indirect_dma source(%dma_start3A_68 : memref<128x32xf32, #tpu.memory_space<vmem>>) target(%dma_start3A_78 : memref<10240x32xf32, #tpu.memory_space<vmem_shared>>) offsets(%dma_start3A_71 : memref<128xi32, #tpu.memory_space<vmem>>) semaphore(%run_scoped3A_66 : memref<!tpu.dma_semaphore, #tpu.memory_space<semaphore_mem>>) {add = true}
      %dma_wait3A = arith.constant 640 : i32
      %dma_wait3A_79 = arith.constant 0 : i32
      %dma_wait3A_80 = tpu.memref_slice %arg7[%dma_wait3A, %dma_wait3A_79] : memref<1280x32xf32, #tpu.memory_space<vmem>> -> memref<128x32xf32, #tpu.memory_space<vmem>>
      %dma_wait3A_81 = arith.constant 0 : i32
      %dma_wait3A_82 = tpu.memref_slice %arg6[%run_scoped3A_42, %dma_wait3A_81] : memref<10x128xi32, #tpu.memory_space<vmem>> -> memref<1x128xi32, #tpu.memory_space<vmem>>
      %dma_wait3A_83 = tpu.memref_squeeze %dma_wait3A_82 : memref<1x128xi32, #tpu.memory_space<vmem>> -> memref<128xi32, #tpu.memory_space<vmem>>
      %dma_wait3A_84 = arith.constant 0 : i32
      %dma_wait3A_85 = arith.constant 0 : i32
      %dma_wait3A_86 = tpu.memref_slice %arg8[%run_scoped3A_41, %dma_wait3A_84, %dma_wait3A_85] : memref<2x10240x32xf32, #tpu.memory_space<vmem_shared>> -> memref<1x10240x32xf32, #tpu.memory_space<vmem_shared>>
      %dma_wait3A_87 = tpu.memref_squeeze %dma_wait3A_86 : memref<1x10240x32xf32, #tpu.memory_space<vmem_shared>> -> memref<10240x32xf32, #tpu.memory_space<vmem_shared>>
      %dma_wait3A_88 = arith.constant 0 : i32
      %dma_wait3A_89 = arith.constant 0 : i32
      %dma_wait3A_90 = tpu.memref_slice %dma_wait3A_87[%dma_wait3A_88, %dma_wait3A_89] : memref<10240x32xf32, #tpu.memory_space<vmem_shared>> -> memref<10240x32xf32, #tpu.memory_space<vmem_shared>>
      tpu.wait_indirect_dma semaphore(%run_scoped3A_66 : memref<!tpu.dma_semaphore, #tpu.memory_space<semaphore_mem>>) src(%dma_wait3A_80 : memref<128x32xf32, #tpu.memory_space<vmem>>) dst(%dma_wait3A_90 : memref<10240x32xf32, #tpu.memory_space<vmem_shared>>)
      tpu.yield
    }) : () -> ()
    %run_scoped3A_43 = arith.constant 1 : i32
    %run_scoped3A_44 = arith.constant 6 : i32
    "tpu.region"() ({
      %run_scoped3A_66 = tpu.sem_alloc : memref<!tpu.dma_semaphore, #tpu.memory_space<semaphore_mem>>
      %dma_start3A = arith.constant 768 : i32
      %dma_start3A_67 = arith.constant 0 : i32
      %dma_start3A_68 = tpu.memref_slice %arg7[%dma_start3A, %dma_start3A_67] : memref<1280x32xf32, #tpu.memory_space<vmem>> -> memref<128x32xf32, #tpu.memory_space<vmem>>
      %dma_start3A_69 = arith.constant 0 : i32
      %dma_start3A_70 = tpu.memref_slice %arg6[%run_scoped3A_44, %dma_start3A_69] : memref<10x128xi32, #tpu.memory_space<vmem>> -> memref<1x128xi32, #tpu.memory_space<vmem>>
      %dma_start3A_71 = tpu.memref_squeeze %dma_start3A_70 : memref<1x128xi32, #tpu.memory_space<vmem>> -> memref<128xi32, #tpu.memory_space<vmem>>
      %dma_start3A_72 = arith.constant 0 : i32
      %dma_start3A_73 = arith.constant 0 : i32
      %dma_start3A_74 = tpu.memref_slice %arg8[%run_scoped3A_43, %dma_start3A_72, %dma_start3A_73] : memref<2x10240x32xf32, #tpu.memory_space<vmem_shared>> -> memref<1x10240x32xf32, #tpu.memory_space<vmem_shared>>
      %dma_start3A_75 = tpu.memref_squeeze %dma_start3A_74 : memref<1x10240x32xf32, #tpu.memory_space<vmem_shared>> -> memref<10240x32xf32, #tpu.memory_space<vmem_shared>>
      %dma_start3A_76 = arith.constant 0 : i32
      %dma_start3A_77 = arith.constant 0 : i32
      %dma_start3A_78 = tpu.memref_slice %dma_start3A_75[%dma_start3A_76, %dma_start3A_77] : memref<10240x32xf32, #tpu.memory_space<vmem_shared>> -> memref<10240x32xf32, #tpu.memory_space<vmem_shared>>
      tpu.enqueue_indirect_dma source(%dma_start3A_68 : memref<128x32xf32, #tpu.memory_space<vmem>>) target(%dma_start3A_78 : memref<10240x32xf32, #tpu.memory_space<vmem_shared>>) offsets(%dma_start3A_71 : memref<128xi32, #tpu.memory_space<vmem>>) semaphore(%run_scoped3A_66 : memref<!tpu.dma_semaphore, #tpu.memory_space<semaphore_mem>>) {add = true}
      %dma_wait3A = arith.constant 768 : i32
      %dma_wait3A_79 = arith.constant 0 : i32
      %dma_wait3A_80 = tpu.memref_slice %arg7[%dma_wait3A, %dma_wait3A_79] : memref<1280x32xf32, #tpu.memory_space<vmem>> -> memref<128x32xf32, #tpu.memory_space<vmem>>
      %dma_wait3A_81 = arith.constant 0 : i32
      %dma_wait3A_82 = tpu.memref_slice %arg6[%run_scoped3A_44, %dma_wait3A_81] : memref<10x128xi32, #tpu.memory_space<vmem>> -> memref<1x128xi32, #tpu.memory_space<vmem>>
      %dma_wait3A_83 = tpu.memref_squeeze %dma_wait3A_82 : memref<1x128xi32, #tpu.memory_space<vmem>> -> memref<128xi32, #tpu.memory_space<vmem>>
      %dma_wait3A_84 = arith.constant 0 : i32
      %dma_wait3A_85 = arith.constant 0 : i32
      %dma_wait3A_86 = tpu.memref_slice %arg8[%run_scoped3A_43, %dma_wait3A_84, %dma_wait3A_85] : memref<2x10240x32xf32, #tpu.memory_space<vmem_shared>> -> memref<1x10240x32xf32, #tpu.memory_space<vmem_shared>>
      %dma_wait3A_87 = tpu.memref_squeeze %dma_wait3A_86 : memref<1x10240x32xf32, #tpu.memory_space<vmem_shared>> -> memref<10240x32xf32, #tpu.memory_space<vmem_shared>>
      %dma_wait3A_88 = arith.constant 0 : i32
      %dma_wait3A_89 = arith.constant 0 : i32
      %dma_wait3A_90 = tpu.memref_slice %dma_wait3A_87[%dma_wait3A_88, %dma_wait3A_89] : memref<10240x32xf32, #tpu.memory_space<vmem_shared>> -> memref<10240x32xf32, #tpu.memory_space<vmem_shared>>
      tpu.wait_indirect_dma semaphore(%run_scoped3A_66 : memref<!tpu.dma_semaphore, #tpu.memory_space<semaphore_mem>>) src(%dma_wait3A_80 : memref<128x32xf32, #tpu.memory_space<vmem>>) dst(%dma_wait3A_90 : memref<10240x32xf32, #tpu.memory_space<vmem_shared>>)
      tpu.yield
    }) : () -> ()
    %run_scoped3A_45 = arith.constant 1 : i32
    %run_scoped3A_46 = arith.constant 7 : i32
    "tpu.region"() ({
      %run_scoped3A_66 = tpu.sem_alloc : memref<!tpu.dma_semaphore, #tpu.memory_space<semaphore_mem>>
      %dma_start3A = arith.constant 896 : i32
      %dma_start3A_67 = arith.constant 0 : i32
      %dma_start3A_68 = tpu.memref_slice %arg7[%dma_start3A, %dma_start3A_67] : memref<1280x32xf32, #tpu.memory_space<vmem>> -> memref<128x32xf32, #tpu.memory_space<vmem>>
      %dma_start3A_69 = arith.constant 0 : i32
      %dma_start3A_70 = tpu.memref_slice %arg6[%run_scoped3A_46, %dma_start3A_69] : memref<10x128xi32, #tpu.memory_space<vmem>> -> memref<1x128xi32, #tpu.memory_space<vmem>>
      %dma_start3A_71 = tpu.memref_squeeze %dma_start3A_70 : memref<1x128xi32, #tpu.memory_space<vmem>> -> memref<128xi32, #tpu.memory_space<vmem>>
      %dma_start3A_72 = arith.constant 0 : i32
      %dma_start3A_73 = arith.constant 0 : i32
      %dma_start3A_74 = tpu.memref_slice %arg8[%run_scoped3A_45, %dma_start3A_72, %dma_start3A_73] : memref<2x10240x32xf32, #tpu.memory_space<vmem_shared>> -> memref<1x10240x32xf32, #tpu.memory_space<vmem_shared>>
      %dma_start3A_75 = tpu.memref_squeeze %dma_start3A_74 : memref<1x10240x32xf32, #tpu.memory_space<vmem_shared>> -> memref<10240x32xf32, #tpu.memory_space<vmem_shared>>
      %dma_start3A_76 = arith.constant 0 : i32
      %dma_start3A_77 = arith.constant 0 : i32
      %dma_start3A_78 = tpu.memref_slice %dma_start3A_75[%dma_start3A_76, %dma_start3A_77] : memref<10240x32xf32, #tpu.memory_space<vmem_shared>> -> memref<10240x32xf32, #tpu.memory_space<vmem_shared>>
      tpu.enqueue_indirect_dma source(%dma_start3A_68 : memref<128x32xf32, #tpu.memory_space<vmem>>) target(%dma_start3A_78 : memref<10240x32xf32, #tpu.memory_space<vmem_shared>>) offsets(%dma_start3A_71 : memref<128xi32, #tpu.memory_space<vmem>>) semaphore(%run_scoped3A_66 : memref<!tpu.dma_semaphore, #tpu.memory_space<semaphore_mem>>) {add = true}
      %dma_wait3A = arith.constant 896 : i32
      %dma_wait3A_79 = arith.constant 0 : i32
      %dma_wait3A_80 = tpu.memref_slice %arg7[%dma_wait3A, %dma_wait3A_79] : memref<1280x32xf32, #tpu.memory_space<vmem>> -> memref<128x32xf32, #tpu.memory_space<vmem>>
      %dma_wait3A_81 = arith.constant 0 : i32
      %dma_wait3A_82 = tpu.memref_slice %arg6[%run_scoped3A_46, %dma_wait3A_81] : memref<10x128xi32, #tpu.memory_space<vmem>> -> memref<1x128xi32, #tpu.memory_space<vmem>>
      %dma_wait3A_83 = tpu.memref_squeeze %dma_wait3A_82 : memref<1x128xi32, #tpu.memory_space<vmem>> -> memref<128xi32, #tpu.memory_space<vmem>>
      %dma_wait3A_84 = arith.constant 0 : i32
      %dma_wait3A_85 = arith.constant 0 : i32
      %dma_wait3A_86 = tpu.memref_slice %arg8[%run_scoped3A_45, %dma_wait3A_84, %dma_wait3A_85] : memref<2x10240x32xf32, #tpu.memory_space<vmem_shared>> -> memref<1x10240x32xf32, #tpu.memory_space<vmem_shared>>
      %dma_wait3A_87 = tpu.memref_squeeze %dma_wait3A_86 : memref<1x10240x32xf32, #tpu.memory_space<vmem_shared>> -> memref<10240x32xf32, #tpu.memory_space<vmem_shared>>
      %dma_wait3A_88 = arith.constant 0 : i32
      %dma_wait3A_89 = arith.constant 0 : i32
      %dma_wait3A_90 = tpu.memref_slice %dma_wait3A_87[%dma_wait3A_88, %dma_wait3A_89] : memref<10240x32xf32, #tpu.memory_space<vmem_shared>> -> memref<10240x32xf32, #tpu.memory_space<vmem_shared>>
      tpu.wait_indirect_dma semaphore(%run_scoped3A_66 : memref<!tpu.dma_semaphore, #tpu.memory_space<semaphore_mem>>) src(%dma_wait3A_80 : memref<128x32xf32, #tpu.memory_space<vmem>>) dst(%dma_wait3A_90 : memref<10240x32xf32, #tpu.memory_space<vmem_shared>>)
      tpu.yield
    }) : () -> ()
    %run_scoped3A_47 = arith.constant 1 : i32
    %run_scoped3A_48 = arith.constant 8 : i32
    "tpu.region"() ({
      %run_scoped3A_66 = tpu.sem_alloc : memref<!tpu.dma_semaphore, #tpu.memory_space<semaphore_mem>>
      %dma_start3A = arith.constant 1024 : i32
      %dma_start3A_67 = arith.constant 0 : i32
      %dma_start3A_68 = tpu.memref_slice %arg7[%dma_start3A, %dma_start3A_67] : memref<1280x32xf32, #tpu.memory_space<vmem>> -> memref<128x32xf32, #tpu.memory_space<vmem>>
      %dma_start3A_69 = arith.constant 0 : i32
      %dma_start3A_70 = tpu.memref_slice %arg6[%run_scoped3A_48, %dma_start3A_69] : memref<10x128xi32, #tpu.memory_space<vmem>> -> memref<1x128xi32, #tpu.memory_space<vmem>>
      %dma_start3A_71 = tpu.memref_squeeze %dma_start3A_70 : memref<1x128xi32, #tpu.memory_space<vmem>> -> memref<128xi32, #tpu.memory_space<vmem>>
      %dma_start3A_72 = arith.constant 0 : i32
      %dma_start3A_73 = arith.constant 0 : i32
      %dma_start3A_74 = tpu.memref_slice %arg8[%run_scoped3A_47, %dma_start3A_72, %dma_start3A_73] : memref<2x10240x32xf32, #tpu.memory_space<vmem_shared>> -> memref<1x10240x32xf32, #tpu.memory_space<vmem_shared>>
      %dma_start3A_75 = tpu.memref_squeeze %dma_start3A_74 : memref<1x10240x32xf32, #tpu.memory_space<vmem_shared>> -> memref<10240x32xf32, #tpu.memory_space<vmem_shared>>
      %dma_start3A_76 = arith.constant 0 : i32
      %dma_start3A_77 = arith.constant 0 : i32
      %dma_start3A_78 = tpu.memref_slice %dma_start3A_75[%dma_start3A_76, %dma_start3A_77] : memref<10240x32xf32, #tpu.memory_space<vmem_shared>> -> memref<10240x32xf32, #tpu.memory_space<vmem_shared>>
      tpu.enqueue_indirect_dma source(%dma_start3A_68 : memref<128x32xf32, #tpu.memory_space<vmem>>) target(%dma_start3A_78 : memref<10240x32xf32, #tpu.memory_space<vmem_shared>>) offsets(%dma_start3A_71 : memref<128xi32, #tpu.memory_space<vmem>>) semaphore(%run_scoped3A_66 : memref<!tpu.dma_semaphore, #tpu.memory_space<semaphore_mem>>) {add = true}
      %dma_wait3A = arith.constant 1024 : i32
      %dma_wait3A_79 = arith.constant 0 : i32
      %dma_wait3A_80 = tpu.memref_slice %arg7[%dma_wait3A, %dma_wait3A_79] : memref<1280x32xf32, #tpu.memory_space<vmem>> -> memref<128x32xf32, #tpu.memory_space<vmem>>
      %dma_wait3A_81 = arith.constant 0 : i32
      %dma_wait3A_82 = tpu.memref_slice %arg6[%run_scoped3A_48, %dma_wait3A_81] : memref<10x128xi32, #tpu.memory_space<vmem>> -> memref<1x128xi32, #tpu.memory_space<vmem>>
      %dma_wait3A_83 = tpu.memref_squeeze %dma_wait3A_82 : memref<1x128xi32, #tpu.memory_space<vmem>> -> memref<128xi32, #tpu.memory_space<vmem>>
      %dma_wait3A_84 = arith.constant 0 : i32
      %dma_wait3A_85 = arith.constant 0 : i32
      %dma_wait3A_86 = tpu.memref_slice %arg8[%run_scoped3A_47, %dma_wait3A_84, %dma_wait3A_85] : memref<2x10240x32xf32, #tpu.memory_space<vmem_shared>> -> memref<1x10240x32xf32, #tpu.memory_space<vmem_shared>>
      %dma_wait3A_87 = tpu.memref_squeeze %dma_wait3A_86 : memref<1x10240x32xf32, #tpu.memory_space<vmem_shared>> -> memref<10240x32xf32, #tpu.memory_space<vmem_shared>>
      %dma_wait3A_88 = arith.constant 0 : i32
      %dma_wait3A_89 = arith.constant 0 : i32
      %dma_wait3A_90 = tpu.memref_slice %dma_wait3A_87[%dma_wait3A_88, %dma_wait3A_89] : memref<10240x32xf32, #tpu.memory_space<vmem_shared>> -> memref<10240x32xf32, #tpu.memory_space<vmem_shared>>
      tpu.wait_indirect_dma semaphore(%run_scoped3A_66 : memref<!tpu.dma_semaphore, #tpu.memory_space<semaphore_mem>>) src(%dma_wait3A_80 : memref<128x32xf32, #tpu.memory_space<vmem>>) dst(%dma_wait3A_90 : memref<10240x32xf32, #tpu.memory_space<vmem_shared>>)
      tpu.yield
    }) : () -> ()
    %run_scoped3A_49 = arith.constant 1 : i32
    %run_scoped3A_50 = arith.constant 9 : i32
    "tpu.region"() ({
      %run_scoped3A_66 = tpu.sem_alloc : memref<!tpu.dma_semaphore, #tpu.memory_space<semaphore_mem>>
      %dma_start3A = arith.constant 1152 : i32
      %dma_start3A_67 = arith.constant 0 : i32
      %dma_start3A_68 = tpu.memref_slice %arg7[%dma_start3A, %dma_start3A_67] : memref<1280x32xf32, #tpu.memory_space<vmem>> -> memref<128x32xf32, #tpu.memory_space<vmem>>
      %dma_start3A_69 = arith.constant 0 : i32
      %dma_start3A_70 = tpu.memref_slice %arg6[%run_scoped3A_50, %dma_start3A_69] : memref<10x128xi32, #tpu.memory_space<vmem>> -> memref<1x128xi32, #tpu.memory_space<vmem>>
      %dma_start3A_71 = tpu.memref_squeeze %dma_start3A_70 : memref<1x128xi32, #tpu.memory_space<vmem>> -> memref<128xi32, #tpu.memory_space<vmem>>
      %dma_start3A_72 = arith.constant 0 : i32
      %dma_start3A_73 = arith.constant 0 : i32
      %dma_start3A_74 = tpu.memref_slice %arg8[%run_scoped3A_49, %dma_start3A_72, %dma_start3A_73] : memref<2x10240x32xf32, #tpu.memory_space<vmem_shared>> -> memref<1x10240x32xf32, #tpu.memory_space<vmem_shared>>
      %dma_start3A_75 = tpu.memref_squeeze %dma_start3A_74 : memref<1x10240x32xf32, #tpu.memory_space<vmem_shared>> -> memref<10240x32xf32, #tpu.memory_space<vmem_shared>>
      %dma_start3A_76 = arith.constant 0 : i32
      %dma_start3A_77 = arith.constant 0 : i32
      %dma_start3A_78 = tpu.memref_slice %dma_start3A_75[%dma_start3A_76, %dma_start3A_77] : memref<10240x32xf32, #tpu.memory_space<vmem_shared>> -> memref<10240x32xf32, #tpu.memory_space<vmem_shared>>
      tpu.enqueue_indirect_dma source(%dma_start3A_68 : memref<128x32xf32, #tpu.memory_space<vmem>>) target(%dma_start3A_78 : memref<10240x32xf32, #tpu.memory_space<vmem_shared>>) offsets(%dma_start3A_71 : memref<128xi32, #tpu.memory_space<vmem>>) semaphore(%run_scoped3A_66 : memref<!tpu.dma_semaphore, #tpu.memory_space<semaphore_mem>>) {add = true}
      %dma_wait3A = arith.constant 1152 : i32
      %dma_wait3A_79 = arith.constant 0 : i32
      %dma_wait3A_80 = tpu.memref_slice %arg7[%dma_wait3A, %dma_wait3A_79] : memref<1280x32xf32, #tpu.memory_space<vmem>> -> memref<128x32xf32, #tpu.memory_space<vmem>>
      %dma_wait3A_81 = arith.constant 0 : i32
      %dma_wait3A_82 = tpu.memref_slice %arg6[%run_scoped3A_50, %dma_wait3A_81] : memref<10x128xi32, #tpu.memory_space<vmem>> -> memref<1x128xi32, #tpu.memory_space<vmem>>
      %dma_wait3A_83 = tpu.memref_squeeze %dma_wait3A_82 : memref<1x128xi32, #tpu.memory_space<vmem>> -> memref<128xi32, #tpu.memory_space<vmem>>
      %dma_wait3A_84 = arith.constant 0 : i32
      %dma_wait3A_85 = arith.constant 0 : i32
      %dma_wait3A_86 = tpu.memref_slice %arg8[%run_scoped3A_49, %dma_wait3A_84, %dma_wait3A_85] : memref<2x10240x32xf32, #tpu.memory_space<vmem_shared>> -> memref<1x10240x32xf32, #tpu.memory_space<vmem_shared>>
      %dma_wait3A_87 = tpu.memref_squeeze %dma_wait3A_86 : memref<1x10240x32xf32, #tpu.memory_space<vmem_shared>> -> memref<10240x32xf32, #tpu.memory_space<vmem_shared>>
      %dma_wait3A_88 = arith.constant 0 : i32
      %dma_wait3A_89 = arith.constant 0 : i32
      %dma_wait3A_90 = tpu.memref_slice %dma_wait3A_87[%dma_wait3A_88, %dma_wait3A_89] : memref<10240x32xf32, #tpu.memory_space<vmem_shared>> -> memref<10240x32xf32, #tpu.memory_space<vmem_shared>>
      tpu.wait_indirect_dma semaphore(%run_scoped3A_66 : memref<!tpu.dma_semaphore, #tpu.memory_space<semaphore_mem>>) src(%dma_wait3A_80 : memref<128x32xf32, #tpu.memory_space<vmem>>) dst(%dma_wait3A_90 : memref<10240x32xf32, #tpu.memory_space<vmem_shared>>)
      tpu.yield
    }) : () -> ()
    %barrier3A_51 = arith.constant 0 : index
    tpu.barrier barrier_id(%barrier3A_51)
    %add3A_52 = arith.constant 0 : i32
    %add3A_53 = arith.addi %add3A_52, %arg0 : i32
    %mul3A_54 = arith.constant 640 : i32
    %mul3A_55 = arith.muli %arg1, %mul3A_54 : i32
    %mul3A_56 = arith.constant 640 : i32
    %mul3A_57 = arith.muli %arg1, %mul3A_56 : i32
    %run_scoped3A_58 = arith.constant 0 : i32
    "tpu.region"() ({
      %run_scoped3A_66 = tpu.sem_alloc : memref<!tpu.dma_semaphore, #tpu.memory_space<semaphore_mem>>
      %dma_start3A = arith.constant 0 : i32
      %dma_start3A_67 = tpu.memref_slice %arg5[%add3A_53, %mul3A_57, %dma_start3A] : memref<4x10240x32xf32, #tpu.memory_space<hbm>> -> memref<1x640x32xf32, #tpu.memory_space<hbm>>
      %dma_start3A_68 = tpu.memref_squeeze %dma_start3A_67 : memref<1x640x32xf32, #tpu.memory_space<hbm>> -> memref<640x32xf32, #tpu.memory_space<hbm>>
      %dma_start3A_69 = arith.constant 0 : i32
      %dma_start3A_70 = tpu.memref_slice %arg8[%run_scoped3A_58, %mul3A_55, %dma_start3A_69] : memref<2x10240x32xf32, #tpu.memory_space<vmem_shared>> -> memref<1x640x32xf32, #tpu.memory_space<vmem_shared>>
      %dma_start3A_71 = tpu.memref_squeeze %dma_start3A_70 : memref<1x640x32xf32, #tpu.memory_space<vmem_shared>> -> memref<640x32xf32, #tpu.memory_space<vmem_shared>>
      tpu.enqueue_dma source(%dma_start3A_71 : memref<640x32xf32, #tpu.memory_space<vmem_shared>>) target(%dma_start3A_68 : memref<640x32xf32, #tpu.memory_space<hbm>>) target_semaphore(%run_scoped3A_66 : memref<!tpu.dma_semaphore, #tpu.memory_space<semaphore_mem>>)
      %dma_wait3A = arith.constant 0 : i32
      %dma_wait3A_72 = tpu.memref_slice %arg5[%add3A_53, %mul3A_57, %dma_wait3A] : memref<4x10240x32xf32, #tpu.memory_space<hbm>> -> memref<1x640x32xf32, #tpu.memory_space<hbm>>
      %dma_wait3A_73 = tpu.memref_squeeze %dma_wait3A_72 : memref<1x640x32xf32, #tpu.memory_space<hbm>> -> memref<640x32xf32, #tpu.memory_space<hbm>>
      %dma_wait3A_74 = arith.constant 0 : i32
      %dma_wait3A_75 = tpu.memref_slice %arg8[%run_scoped3A_58, %mul3A_55, %dma_wait3A_74] : memref<2x10240x32xf32, #tpu.memory_space<vmem_shared>> -> memref<1x640x32xf32, #tpu.memory_space<vmem_shared>>
      %dma_wait3A_76 = tpu.memref_squeeze %dma_wait3A_75 : memref<1x640x32xf32, #tpu.memory_space<vmem_shared>> -> memref<640x32xf32, #tpu.memory_space<vmem_shared>>
      tpu.wait_dma2 semaphore(%run_scoped3A_66 : memref<!tpu.dma_semaphore, #tpu.memory_space<semaphore_mem>>) src(%dma_wait3A_76 : memref<640x32xf32, #tpu.memory_space<vmem_shared>>) dst(%dma_wait3A_73 : memref<640x32xf32, #tpu.memory_space<hbm>>)
      tpu.yield
    }) : () -> ()
    %add3A_59 = arith.constant 2 : i32
    %add3A_60 = arith.addi %add3A_59, %arg0 : i32
    %mul3A_61 = arith.constant 640 : i32
    %mul3A_62 = arith.muli %arg1, %mul3A_61 : i32
    %mul3A_63 = arith.constant 640 : i32
    %mul3A_64 = arith.muli %arg1, %mul3A_63 : i32
    %run_scoped3A_65 = arith.constant 1 : i32
    "tpu.region"() ({
      %run_scoped3A_66 = tpu.sem_alloc : memref<!tpu.dma_semaphore, #tpu.memory_space<semaphore_mem>>
      %dma_start3A = arith.constant 0 : i32
      %dma_start3A_67 = tpu.memref_slice %arg5[%add3A_60, %mul3A_64, %dma_start3A] : memref<4x10240x32xf32, #tpu.memory_space<hbm>> -> memref<1x640x32xf32, #tpu.memory_space<hbm>>
      %dma_start3A_68 = tpu.memref_squeeze %dma_start3A_67 : memref<1x640x32xf32, #tpu.memory_space<hbm>> -> memref<640x32xf32, #tpu.memory_space<hbm>>
      %dma_start3A_69 = arith.constant 0 : i32
      %dma_start3A_70 = tpu.memref_slice %arg8[%run_scoped3A_65, %mul3A_62, %dma_start3A_69] : memref<2x10240x32xf32, #tpu.memory_space<vmem_shared>> -> memref<1x640x32xf32, #tpu.memory_space<vmem_shared>>
      %dma_start3A_71 = tpu.memref_squeeze %dma_start3A_70 : memref<1x640x32xf32, #tpu.memory_space<vmem_shared>> -> memref<640x32xf32, #tpu.memory_space<vmem_shared>>
      tpu.enqueue_dma source(%dma_start3A_71 : memref<640x32xf32, #tpu.memory_space<vmem_shared>>) target(%dma_start3A_68 : memref<640x32xf32, #tpu.memory_space<hbm>>) target_semaphore(%run_scoped3A_66 : memref<!tpu.dma_semaphore, #tpu.memory_space<semaphore_mem>>)
      %dma_wait3A = arith.constant 0 : i32
      %dma_wait3A_72 = tpu.memref_slice %arg5[%add3A_60, %mul3A_64, %dma_wait3A] : memref<4x10240x32xf32, #tpu.memory_space<hbm>> -> memref<1x640x32xf32, #tpu.memory_space<hbm>>
      %dma_wait3A_73 = tpu.memref_squeeze %dma_wait3A_72 : memref<1x640x32xf32, #tpu.memory_space<hbm>> -> memref<640x32xf32, #tpu.memory_space<hbm>>
      %dma_wait3A_74 = arith.constant 0 : i32
      %dma_wait3A_75 = tpu.memref_slice %arg8[%run_scoped3A_65, %mul3A_62, %dma_wait3A_74] : memref<2x10240x32xf32, #tpu.memory_space<vmem_shared>> -> memref<1x640x32xf32, #tpu.memory_space<vmem_shared>>
      %dma_wait3A_76 = tpu.memref_squeeze %dma_wait3A_75 : memref<1x640x32xf32, #tpu.memory_space<vmem_shared>> -> memref<640x32xf32, #tpu.memory_space<vmem_shared>>
      tpu.wait_dma2 semaphore(%run_scoped3A_66 : memref<!tpu.dma_semaphore, #tpu.memory_space<semaphore_mem>>) src(%dma_wait3A_76 : memref<640x32xf32, #tpu.memory_space<vmem_shared>>) dst(%dma_wait3A_73 : memref<640x32xf32, #tpu.memory_space<hbm>>)
      tpu.yield
    }) : () -> ()
    return
  }
}

module attributes {stable_mosaic.version = 14 : i64} {
  func.func @_prep_body(%arg0: i32, %arg1: memref<1x17x120x160xf32, #tpu.memory_space<vmem>>, %arg2: memref<1x128x160xi32, #tpu.memory_space<vmem>>, %arg3: memref<1x32x128x160xf32, #tpu.memory_space<vmem>>) attributes {dimension_semantics = [#tpu.dimension_semantics<arbitrary>], iteration_bounds = array<i64: 4>, scalar_prefetch = 0 : i64, scratch_operands = 0 : i64, tpu.core_type = #tpu.core_type<tc>, window_params = [{transform_indices = @transform_0, window_bounds = array<i64: 1, 17, 120, 160>}, {transform_indices = @transform_1, window_bounds = array<i64: 1, 128, 160>}, {transform_indices = @transform_2, window_bounds = array<i64: 1, 32, 128, 160>}]} {
    %get3A = arith.constant 0 : index
    %get3A_0 = arith.constant 0 : index
    %get3A_1 = arith.constant 0 : index
    %get3A_2 = arith.constant 0 : index
    %get3A_3 = vector.load %arg1[%get3A, %get3A_0, %get3A_1, %get3A_2] : memref<1x17x120x160xf32, #tpu.memory_space<vmem>>, vector<1x17x120x160xf32>
    %get3A_4 = vector.shape_cast %get3A_3 : vector<1x17x120x160xf32> to vector<17x120x160xf32>
    %slice3A = vector.extract_strided_slice %get3A_4 {offsets = [0, 0, 0], sizes = [1, 120, 160], strides = [1, 1, 1]} : vector<17x120x160xf32> to vector<1x120x160xf32>
    %squeeze3A = vector.shape_cast %slice3A : vector<1x120x160xf32> to vector<120x160xf32>
    %mul3A = arith.constant 4.800000e+02 : f32
    %mul3A_5 = vector.broadcast %mul3A : f32 to vector<120x160xf32>
    %mul3A_6 = arith.mulf %squeeze3A, %mul3A_5 : vector<120x160xf32>
    %add3A = arith.constant 2.000000e+01 : f32
    %add3A_7 = vector.broadcast %add3A : f32 to vector<120x160xf32>
    %add3A_8 = arith.addf %add3A_7, %mul3A_6 : vector<120x160xf32>
    %iota3A = tpu.iota {dimensions = array<i32: 1>} : vector<120x160xi32>
    %convert_element_type3A = arith.sitofp %iota3A : vector<120x160xi32> to vector<120x160xf32>
    %mul3A_9 = arith.constant 4.000000e+00 : f32
    %mul3A_10 = vector.broadcast %mul3A_9 : f32 to vector<120x160xf32>
    %mul3A_11 = arith.mulf %convert_element_type3A, %mul3A_10 : vector<120x160xf32>
    %iota3A_12 = tpu.iota {dimensions = array<i32: 0>} : vector<120x160xi32>
    %convert_element_type3A_13 = arith.sitofp %iota3A_12 : vector<120x160xi32> to vector<120x160xf32>
    %mul3A_14 = arith.constant 4.000000e+00 : f32
    %mul3A_15 = vector.broadcast %mul3A_14 : f32 to vector<120x160xf32>
    %mul3A_16 = arith.mulf %convert_element_type3A_13, %mul3A_15 : vector<120x160xf32>
    %sub3A = arith.constant 3.200000e+02 : f32
    %sub3A_17 = vector.broadcast %sub3A : f32 to vector<120x160xf32>
    %sub3A_18 = arith.subf %mul3A_11, %sub3A_17 : vector<120x160xf32>
    %div3A = arith.constant 388.19104 : f32
    %div3A_19 = vector.broadcast %div3A : f32 to vector<120x160xf32>
    %div3A_20 = arith.divf %sub3A_18, %div3A_19 : vector<120x160xf32>
    %sub3A_21 = arith.constant 2.400000e+02 : f32
    %sub3A_22 = vector.broadcast %sub3A_21 : f32 to vector<120x160xf32>
    %sub3A_23 = arith.subf %sub3A_22, %mul3A_16 : vector<120x160xf32>
    %div3A_24 = arith.constant 388.19104 : f32
    %div3A_25 = vector.broadcast %div3A_24 : f32 to vector<120x160xf32>
    %div3A_26 = arith.divf %sub3A_23, %div3A_25 : vector<120x160xf32>
    %mul3A_27 = arith.mulf %div3A_20, %add3A_8 : vector<120x160xf32>
    %mul3A_28 = arith.mulf %div3A_26, %add3A_8 : vector<120x160xf32>
    %add3A_29 = arith.constant 8.800000e+01 : f32
    %add3A_30 = vector.broadcast %add3A_29 : f32 to vector<120x160xf32>
    %add3A_31 = arith.addf %mul3A_28, %add3A_30 : vector<120x160xf32>
    %div3A_32 = arith.constant 5.000000e+00 : f32
    %div3A_33 = vector.broadcast %div3A_32 : f32 to vector<120x160xf32>
    %div3A_34 = arith.divf %add3A_8, %div3A_33 : vector<120x160xf32>
    %floor3A = math.floor %div3A_34 : vector<120x160xf32>
    %convert_element_type3A_35 = arith.fptosi %floor3A : vector<120x160xf32> to vector<120x160xi32>
    %div3A_36 = arith.constant 5.000000e+00 : f32
    %div3A_37 = vector.broadcast %div3A_36 : f32 to vector<120x160xf32>
    %div3A_38 = arith.divf %mul3A_27, %div3A_37 : vector<120x160xf32>
    %add3A_39 = arith.constant 5.000000e+01 : f32
    %add3A_40 = vector.broadcast %add3A_39 : f32 to vector<120x160xf32>
    %add3A_41 = arith.addf %div3A_38, %add3A_40 : vector<120x160xf32>
    %floor3A_42 = math.floor %add3A_41 : vector<120x160xf32>
    %convert_element_type3A_43 = arith.fptosi %floor3A_42 : vector<120x160xf32> to vector<120x160xi32>
    %div3A_44 = arith.constant 5.000000e+00 : f32
    %div3A_45 = vector.broadcast %div3A_44 : f32 to vector<120x160xf32>
    %div3A_46 = arith.divf %add3A_31, %div3A_45 : vector<120x160xf32>
    %sub3A_47 = arith.constant -8.000000e+00 : f32
    %sub3A_48 = vector.broadcast %sub3A_47 : f32 to vector<120x160xf32>
    %sub3A_49 = arith.subf %div3A_46, %sub3A_48 : vector<120x160xf32>
    %floor3A_50 = math.floor %sub3A_49 : vector<120x160xf32>
    %convert_element_type3A_51 = arith.fptosi %floor3A_50 : vector<120x160xf32> to vector<120x160xi32>
    %ge3A = arith.constant 0 : i32
    %ge3A_52 = vector.broadcast %ge3A : i32 to vector<120x160xi32>
    %ge3A_53 = arith.cmpi sge, %convert_element_type3A_35, %ge3A_52 : vector<120x160xi32>
    %lt3A = arith.constant 100 : i32
    %lt3A_54 = vector.broadcast %lt3A : i32 to vector<120x160xi32>
    %lt3A_55 = arith.cmpi slt, %convert_element_type3A_35, %lt3A_54 : vector<120x160xi32>
    %and3A = arith.andi %ge3A_53, %lt3A_55 : vector<120x160xi1>
    %ge3A_56 = arith.constant 0 : i32
    %ge3A_57 = vector.broadcast %ge3A_56 : i32 to vector<120x160xi32>
    %ge3A_58 = arith.cmpi sge, %convert_element_type3A_43, %ge3A_57 : vector<120x160xi32>
    %and3A_59 = arith.andi %and3A, %ge3A_58 : vector<120x160xi1>
    %lt3A_60 = arith.constant 100 : i32
    %lt3A_61 = vector.broadcast %lt3A_60 : i32 to vector<120x160xi32>
    %lt3A_62 = arith.cmpi slt, %convert_element_type3A_43, %lt3A_61 : vector<120x160xi32>
    %and3A_63 = arith.andi %and3A_59, %lt3A_62 : vector<120x160xi1>
    %ge3A_64 = arith.constant 0 : i32
    %ge3A_65 = vector.broadcast %ge3A_64 : i32 to vector<120x160xi32>
    %ge3A_66 = arith.cmpi sge, %convert_element_type3A_51, %ge3A_65 : vector<120x160xi32>
    %and3A_67 = arith.andi %and3A_63, %ge3A_66 : vector<120x160xi1>
    %lt3A_68 = arith.constant 80 : i32
    %lt3A_69 = vector.broadcast %lt3A_68 : i32 to vector<120x160xi32>
    %lt3A_70 = arith.cmpi slt, %convert_element_type3A_51, %lt3A_69 : vector<120x160xi32>
    %and3A_71 = arith.andi %and3A_67, %lt3A_70 : vector<120x160xi1>
    %ge3A_72 = arith.constant 2.000000e+01 : f32
    %ge3A_73 = vector.broadcast %ge3A_72 : f32 to vector<120x160xf32>
    %ge3A_74 = arith.cmpf oge, %add3A_8, %ge3A_73 : vector<120x160xf32>
    %and3A_75 = arith.andi %and3A_71, %ge3A_74 : vector<120x160xi1>
    %le3A = arith.constant 5.000000e+02 : f32
    %le3A_76 = vector.broadcast %le3A : f32 to vector<120x160xf32>
    %le3A_77 = arith.cmpf ole, %add3A_8, %le3A_76 : vector<120x160xf32>
    %and3A_78 = arith.andi %and3A_75, %le3A_77 : vector<120x160xi1>
    %mul3A_79 = arith.constant 100 : i32
    %mul3A_80 = vector.broadcast %mul3A_79 : i32 to vector<120x160xi32>
    %mul3A_81 = arith.muli %convert_element_type3A_35, %mul3A_80 : vector<120x160xi32>
    %add3A_82 = arith.addi %mul3A_81, %convert_element_type3A_43 : vector<120x160xi32>
    %jit3A = arith.constant 10000 : i32
    %broadcast_in_dim3A = vector.broadcast %jit3A : i32 to vector<120x160xi32>
    %select_n3A = arith.select %and3A_78, %add3A_82, %broadcast_in_dim3A : vector<120x160xi1>, vector<120x160xi32>
    %convert_element_type3A_83 = arith.extui %and3A_78 : vector<120x160xi1> to vector<120x160xi32>
    %convert_element_type3A_84 = arith.sitofp %convert_element_type3A_83 : vector<120x160xi32> to vector<120x160xf32>
    %ge3A_85 = arith.constant 13 : i32
    %ge3A_86 = vector.broadcast %ge3A_85 : i32 to vector<120x160xi32>
    %ge3A_87 = arith.cmpi sge, %convert_element_type3A_51, %ge3A_86 : vector<120x160xi32>
    %lt3A_88 = arith.constant 25 : i32
    %lt3A_89 = vector.broadcast %lt3A_88 : i32 to vector<120x160xi32>
    %lt3A_90 = arith.cmpi slt, %convert_element_type3A_51, %lt3A_89 : vector<120x160xi32>
    %and3A_91 = arith.andi %ge3A_87, %lt3A_90 : vector<120x160xi1>
    %jit3A_92 = arith.constant 0.000000e+00 : f32
    %broadcast_in_dim3A_93 = vector.broadcast %jit3A_92 : f32 to vector<120x160xf32>
    %select_n3A_94 = arith.select %and3A_91, %convert_element_type3A_84, %broadcast_in_dim3A_93 : vector<120x160xi1>, vector<120x160xf32>
    %swap3A = arith.constant 0 : index
    %swap3A_95 = arith.constant 0 : index
    %swap3A_96 = arith.constant 0 : index
    %swap3A_97 = vector.load %arg2[%swap3A, %swap3A_95, %swap3A_96] : memref<1x128x160xi32, #tpu.memory_space<vmem>>, vector<1x120x160xi32>
    %swap3A_98 = vector.shape_cast %swap3A_97 : vector<1x120x160xi32> to vector<120x160xi32>
    %swap3A_99 = vector.shape_cast %select_n3A : vector<120x160xi32> to vector<1x120x160xi32>
    tpu.vector_store %arg2[%swap3A, %swap3A_95, %swap3A_96], %swap3A_99 {strides = array<i32>} : memref<1x128x160xi32, #tpu.memory_space<vmem>>, vector<1x120x160xi32>,
    %broadcast_in_dim3A_100 = arith.constant 10000 : i32
    %broadcast_in_dim3A_101 = vector.broadcast %broadcast_in_dim3A_100 : i32 to vector<8x160xi32>
    %swap3A_102 = arith.constant 0 : index
    %swap3A_103 = arith.constant 120 : index
    %swap3A_104 = arith.constant 0 : index
    %swap3A_105 = vector.load %arg2[%swap3A_102, %swap3A_103, %swap3A_104] : memref<1x128x160xi32, #tpu.memory_space<vmem>>, vector<1x8x160xi32>
    %swap3A_106 = vector.shape_cast %swap3A_105 : vector<1x8x160xi32> to vector<8x160xi32>
    %swap3A_107 = vector.shape_cast %broadcast_in_dim3A_101 : vector<8x160xi32> to vector<1x8x160xi32>
    tpu.vector_store %arg2[%swap3A_102, %swap3A_103, %swap3A_104], %swap3A_107 {strides = array<i32>} : memref<1x128x160xi32, #tpu.memory_space<vmem>>, vector<1x8x160xi32>,
    %broadcast_in_dim3A_108 = arith.constant 0.000000e+00 : f32
    %broadcast_in_dim3A_109 = vector.broadcast %broadcast_in_dim3A_108 : f32 to vector<128x160xf32>
    %broadcast_in_dim3A_110 = arith.constant 0.000000e+00 : f32
    %broadcast_in_dim3A_111 = vector.broadcast %broadcast_in_dim3A_110 : f32 to vector<8x160xf32>
    %concatenate3A = tpu.concatenate %convert_element_type3A_84, %broadcast_in_dim3A_111 in 0 : vector<120x160xf32>, vector<8x160xf32> -> vector<128x160xf32>
    %swap3A_112 = arith.constant 0 : index
    %swap3A_113 = arith.constant 0 : index
    %swap3A_114 = arith.constant 0 : index
    %swap3A_115 = arith.constant 0 : index
    %swap3A_116 = vector.load %arg3[%swap3A_112, %swap3A_113, %swap3A_114, %swap3A_115] : memref<1x32x128x160xf32, #tpu.memory_space<vmem>>, vector<1x1x128x160xf32>
    %swap3A_117 = vector.shape_cast %swap3A_116 : vector<1x1x128x160xf32> to vector<128x160xf32>
    %swap3A_118 = vector.shape_cast %concatenate3A : vector<128x160xf32> to vector<1x1x128x160xf32>
    tpu.vector_store %arg3[%swap3A_112, %swap3A_113, %swap3A_114, %swap3A_115], %swap3A_118 {strides = array<i32>} : memref<1x32x128x160xf32, #tpu.memory_space<vmem>>, vector<1x1x128x160xf32>,
    %slice3A_119 = vector.extract_strided_slice %get3A_4 {offsets = [1, 0, 0], sizes = [1, 120, 160], strides = [1, 1, 1]} : vector<17x120x160xf32> to vector<1x120x160xf32>
    %squeeze3A_120 = vector.shape_cast %slice3A_119 : vector<1x120x160xf32> to vector<120x160xf32>
    %mul3A_121 = arith.mulf %squeeze3A_120, %convert_element_type3A_84 : vector<120x160xf32>
    %concatenate3A_122 = tpu.concatenate %mul3A_121, %broadcast_in_dim3A_111 in 0 : vector<120x160xf32>, vector<8x160xf32> -> vector<128x160xf32>
    %swap3A_123 = arith.constant 0 : index
    %swap3A_124 = arith.constant 1 : index
    %swap3A_125 = arith.constant 0 : index
    %swap3A_126 = arith.constant 0 : index
    %swap3A_127 = vector.load %arg3[%swap3A_123, %swap3A_124, %swap3A_125, %swap3A_126] : memref<1x32x128x160xf32, #tpu.memory_space<vmem>>, vector<1x1x128x160xf32>
    %swap3A_128 = vector.shape_cast %swap3A_127 : vector<1x1x128x160xf32> to vector<128x160xf32>
    %swap3A_129 = vector.shape_cast %concatenate3A_122 : vector<128x160xf32> to vector<1x1x128x160xf32>
    tpu.vector_store %arg3[%swap3A_123, %swap3A_124, %swap3A_125, %swap3A_126], %swap3A_129 {strides = array<i32>} : memref<1x32x128x160xf32, #tpu.memory_space<vmem>>, vector<1x1x128x160xf32>,
    %slice3A_130 = vector.extract_strided_slice %get3A_4 {offsets = [2, 0, 0], sizes = [1, 120, 160], strides = [1, 1, 1]} : vector<17x120x160xf32> to vector<1x120x160xf32>
    %squeeze3A_131 = vector.shape_cast %slice3A_130 : vector<1x120x160xf32> to vector<120x160xf32>
    %mul3A_132 = arith.mulf %squeeze3A_131, %convert_element_type3A_84 : vector<120x160xf32>
    %concatenate3A_133 = tpu.concatenate %mul3A_132, %broadcast_in_dim3A_111 in 0 : vector<120x160xf32>, vector<8x160xf32> -> vector<128x160xf32>
    %swap3A_134 = arith.constant 0 : index
    %swap3A_135 = arith.constant 2 : index
    %swap3A_136 = arith.constant 0 : index
    %swap3A_137 = arith.constant 0 : index
    %swap3A_138 = vector.load %arg3[%swap3A_134, %swap3A_135, %swap3A_136, %swap3A_137] : memref<1x32x128x160xf32, #tpu.memory_space<vmem>>, vector<1x1x128x160xf32>
    %swap3A_139 = vector.shape_cast %swap3A_138 : vector<1x1x128x160xf32> to vector<128x160xf32>
    %swap3A_140 = vector.shape_cast %concatenate3A_133 : vector<128x160xf32> to vector<1x1x128x160xf32>
    tpu.vector_store %arg3[%swap3A_134, %swap3A_135, %swap3A_136, %swap3A_137], %swap3A_140 {strides = array<i32>} : memref<1x32x128x160xf32, #tpu.memory_space<vmem>>, vector<1x1x128x160xf32>,
    %slice3A_141 = vector.extract_strided_slice %get3A_4 {offsets = [3, 0, 0], sizes = [1, 120, 160], strides = [1, 1, 1]} : vector<17x120x160xf32> to vector<1x120x160xf32>
    %squeeze3A_142 = vector.shape_cast %slice3A_141 : vector<1x120x160xf32> to vector<120x160xf32>
    %mul3A_143 = arith.mulf %squeeze3A_142, %convert_element_type3A_84 : vector<120x160xf32>
    %concatenate3A_144 = tpu.concatenate %mul3A_143, %broadcast_in_dim3A_111 in 0 : vector<120x160xf32>, vector<8x160xf32> -> vector<128x160xf32>
    %swap3A_145 = arith.constant 0 : index
    %swap3A_146 = arith.constant 3 : index
    %swap3A_147 = arith.constant 0 : index
    %swap3A_148 = arith.constant 0 : index
    %swap3A_149 = vector.load %arg3[%swap3A_145, %swap3A_146, %swap3A_147, %swap3A_148] : memref<1x32x128x160xf32, #tpu.memory_space<vmem>>, vector<1x1x128x160xf32>
    %swap3A_150 = vector.shape_cast %swap3A_149 : vector<1x1x128x160xf32> to vector<128x160xf32>
    %swap3A_151 = vector.shape_cast %concatenate3A_144 : vector<128x160xf32> to vector<1x1x128x160xf32>
    tpu.vector_store %arg3[%swap3A_145, %swap3A_146, %swap3A_147, %swap3A_148], %swap3A_151 {strides = array<i32>} : memref<1x32x128x160xf32, #tpu.memory_space<vmem>>, vector<1x1x128x160xf32>,
    %slice3A_152 = vector.extract_strided_slice %get3A_4 {offsets = [4, 0, 0], sizes = [1, 120, 160], strides = [1, 1, 1]} : vector<17x120x160xf32> to vector<1x120x160xf32>
    %squeeze3A_153 = vector.shape_cast %slice3A_152 : vector<1x120x160xf32> to vector<120x160xf32>
    %mul3A_154 = arith.mulf %squeeze3A_153, %convert_element_type3A_84 : vector<120x160xf32>
    %concatenate3A_155 = tpu.concatenate %mul3A_154, %broadcast_in_dim3A_111 in 0 : vector<120x160xf32>, vector<8x160xf32> -> vector<128x160xf32>
    %swap3A_156 = arith.constant 0 : index
    %swap3A_157 = arith.constant 4 : index
    %swap3A_158 = arith.constant 0 : index
    %swap3A_159 = arith.constant 0 : index
    %swap3A_160 = vector.load %arg3[%swap3A_156, %swap3A_157, %swap3A_158, %swap3A_159] : memref<1x32x128x160xf32, #tpu.memory_space<vmem>>, vector<1x1x128x160xf32>
    %swap3A_161 = vector.shape_cast %swap3A_160 : vector<1x1x128x160xf32> to vector<128x160xf32>
    %swap3A_162 = vector.shape_cast %concatenate3A_155 : vector<128x160xf32> to vector<1x1x128x160xf32>
    tpu.vector_store %arg3[%swap3A_156, %swap3A_157, %swap3A_158, %swap3A_159], %swap3A_162 {strides = array<i32>} : memref<1x32x128x160xf32, #tpu.memory_space<vmem>>, vector<1x1x128x160xf32>,
    %slice3A_163 = vector.extract_strided_slice %get3A_4 {offsets = [5, 0, 0], sizes = [1, 120, 160], strides = [1, 1, 1]} : vector<17x120x160xf32> to vector<1x120x160xf32>
    %squeeze3A_164 = vector.shape_cast %slice3A_163 : vector<1x120x160xf32> to vector<120x160xf32>
    %mul3A_165 = arith.mulf %squeeze3A_164, %convert_element_type3A_84 : vector<120x160xf32>
    %concatenate3A_166 = tpu.concatenate %mul3A_165, %broadcast_in_dim3A_111 in 0 : vector<120x160xf32>, vector<8x160xf32> -> vector<128x160xf32>
    %swap3A_167 = arith.constant 0 : index
    %swap3A_168 = arith.constant 5 : index
    %swap3A_169 = arith.constant 0 : index
    %swap3A_170 = arith.constant 0 : index
    %swap3A_171 = vector.load %arg3[%swap3A_167, %swap3A_168, %swap3A_169, %swap3A_170] : memref<1x32x128x160xf32, #tpu.memory_space<vmem>>, vector<1x1x128x160xf32>
    %swap3A_172 = vector.shape_cast %swap3A_171 : vector<1x1x128x160xf32> to vector<128x160xf32>
    %swap3A_173 = vector.shape_cast %concatenate3A_166 : vector<128x160xf32> to vector<1x1x128x160xf32>
    tpu.vector_store %arg3[%swap3A_167, %swap3A_168, %swap3A_169, %swap3A_170], %swap3A_173 {strides = array<i32>} : memref<1x32x128x160xf32, #tpu.memory_space<vmem>>, vector<1x1x128x160xf32>,
    %slice3A_174 = vector.extract_strided_slice %get3A_4 {offsets = [6, 0, 0], sizes = [1, 120, 160], strides = [1, 1, 1]} : vector<17x120x160xf32> to vector<1x120x160xf32>
    %squeeze3A_175 = vector.shape_cast %slice3A_174 : vector<1x120x160xf32> to vector<120x160xf32>
    %mul3A_176 = arith.mulf %squeeze3A_175, %convert_element_type3A_84 : vector<120x160xf32>
    %concatenate3A_177 = tpu.concatenate %mul3A_176, %broadcast_in_dim3A_111 in 0 : vector<120x160xf32>, vector<8x160xf32> -> vector<128x160xf32>
    %swap3A_178 = arith.constant 0 : index
    %swap3A_179 = arith.constant 6 : index
    %swap3A_180 = arith.constant 0 : index
    %swap3A_181 = arith.constant 0 : index
    %swap3A_182 = vector.load %arg3[%swap3A_178, %swap3A_179, %swap3A_180, %swap3A_181] : memref<1x32x128x160xf32, #tpu.memory_space<vmem>>, vector<1x1x128x160xf32>
    %swap3A_183 = vector.shape_cast %swap3A_182 : vector<1x1x128x160xf32> to vector<128x160xf32>
    %swap3A_184 = vector.shape_cast %concatenate3A_177 : vector<128x160xf32> to vector<1x1x128x160xf32>
    tpu.vector_store %arg3[%swap3A_178, %swap3A_179, %swap3A_180, %swap3A_181], %swap3A_184 {strides = array<i32>} : memref<1x32x128x160xf32, #tpu.memory_space<vmem>>, vector<1x1x128x160xf32>,
    %slice3A_185 = vector.extract_strided_slice %get3A_4 {offsets = [7, 0, 0], sizes = [1, 120, 160], strides = [1, 1, 1]} : vector<17x120x160xf32> to vector<1x120x160xf32>
    %squeeze3A_186 = vector.shape_cast %slice3A_185 : vector<1x120x160xf32> to vector<120x160xf32>
    %mul3A_187 = arith.mulf %squeeze3A_186, %convert_element_type3A_84 : vector<120x160xf32>
    %concatenate3A_188 = tpu.concatenate %mul3A_187, %broadcast_in_dim3A_111 in 0 : vector<120x160xf32>, vector<8x160xf32> -> vector<128x160xf32>
    %swap3A_189 = arith.constant 0 : index
    %swap3A_190 = arith.constant 7 : index
    %swap3A_191 = arith.constant 0 : index
    %swap3A_192 = arith.constant 0 : index
    %swap3A_193 = vector.load %arg3[%swap3A_189, %swap3A_190, %swap3A_191, %swap3A_192] : memref<1x32x128x160xf32, #tpu.memory_space<vmem>>, vector<1x1x128x160xf32>
    %swap3A_194 = vector.shape_cast %swap3A_193 : vector<1x1x128x160xf32> to vector<128x160xf32>
    %swap3A_195 = vector.shape_cast %concatenate3A_188 : vector<128x160xf32> to vector<1x1x128x160xf32>
    tpu.vector_store %arg3[%swap3A_189, %swap3A_190, %swap3A_191, %swap3A_192], %swap3A_195 {strides = array<i32>} : memref<1x32x128x160xf32, #tpu.memory_space<vmem>>, vector<1x1x128x160xf32>,
    %slice3A_196 = vector.extract_strided_slice %get3A_4 {offsets = [8, 0, 0], sizes = [1, 120, 160], strides = [1, 1, 1]} : vector<17x120x160xf32> to vector<1x120x160xf32>
    %squeeze3A_197 = vector.shape_cast %slice3A_196 : vector<1x120x160xf32> to vector<120x160xf32>
    %mul3A_198 = arith.mulf %squeeze3A_197, %convert_element_type3A_84 : vector<120x160xf32>
    %concatenate3A_199 = tpu.concatenate %mul3A_198, %broadcast_in_dim3A_111 in 0 : vector<120x160xf32>, vector<8x160xf32> -> vector<128x160xf32>
    %swap3A_200 = arith.constant 0 : index
    %swap3A_201 = arith.constant 8 : index
    %swap3A_202 = arith.constant 0 : index
    %swap3A_203 = arith.constant 0 : index
    %swap3A_204 = vector.load %arg3[%swap3A_200, %swap3A_201, %swap3A_202, %swap3A_203] : memref<1x32x128x160xf32, #tpu.memory_space<vmem>>, vector<1x1x128x160xf32>
    %swap3A_205 = vector.shape_cast %swap3A_204 : vector<1x1x128x160xf32> to vector<128x160xf32>
    %swap3A_206 = vector.shape_cast %concatenate3A_199 : vector<128x160xf32> to vector<1x1x128x160xf32>
    tpu.vector_store %arg3[%swap3A_200, %swap3A_201, %swap3A_202, %swap3A_203], %swap3A_206 {strides = array<i32>} : memref<1x32x128x160xf32, #tpu.memory_space<vmem>>, vector<1x1x128x160xf32>,
    %slice3A_207 = vector.extract_strided_slice %get3A_4 {offsets = [9, 0, 0], sizes = [1, 120, 160], strides = [1, 1, 1]} : vector<17x120x160xf32> to vector<1x120x160xf32>
    %squeeze3A_208 = vector.shape_cast %slice3A_207 : vector<1x120x160xf32> to vector<120x160xf32>
    %mul3A_209 = arith.mulf %squeeze3A_208, %convert_element_type3A_84 : vector<120x160xf32>
    %concatenate3A_210 = tpu.concatenate %mul3A_209, %broadcast_in_dim3A_111 in 0 : vector<120x160xf32>, vector<8x160xf32> -> vector<128x160xf32>
    %swap3A_211 = arith.constant 0 : index
    %swap3A_212 = arith.constant 9 : index
    %swap3A_213 = arith.constant 0 : index
    %swap3A_214 = arith.constant 0 : index
    %swap3A_215 = vector.load %arg3[%swap3A_211, %swap3A_212, %swap3A_213, %swap3A_214] : memref<1x32x128x160xf32, #tpu.memory_space<vmem>>, vector<1x1x128x160xf32>
    %swap3A_216 = vector.shape_cast %swap3A_215 : vector<1x1x128x160xf32> to vector<128x160xf32>
    %swap3A_217 = vector.shape_cast %concatenate3A_210 : vector<128x160xf32> to vector<1x1x128x160xf32>
    tpu.vector_store %arg3[%swap3A_211, %swap3A_212, %swap3A_213, %swap3A_214], %swap3A_217 {strides = array<i32>} : memref<1x32x128x160xf32, #tpu.memory_space<vmem>>, vector<1x1x128x160xf32>,
    %slice3A_218 = vector.extract_strided_slice %get3A_4 {offsets = [10, 0, 0], sizes = [1, 120, 160], strides = [1, 1, 1]} : vector<17x120x160xf32> to vector<1x120x160xf32>
    %squeeze3A_219 = vector.shape_cast %slice3A_218 : vector<1x120x160xf32> to vector<120x160xf32>
    %mul3A_220 = arith.mulf %squeeze3A_219, %convert_element_type3A_84 : vector<120x160xf32>
    %concatenate3A_221 = tpu.concatenate %mul3A_220, %broadcast_in_dim3A_111 in 0 : vector<120x160xf32>, vector<8x160xf32> -> vector<128x160xf32>
    %swap3A_222 = arith.constant 0 : index
    %swap3A_223 = arith.constant 10 : index
    %swap3A_224 = arith.constant 0 : index
    %swap3A_225 = arith.constant 0 : index
    %swap3A_226 = vector.load %arg3[%swap3A_222, %swap3A_223, %swap3A_224, %swap3A_225] : memref<1x32x128x160xf32, #tpu.memory_space<vmem>>, vector<1x1x128x160xf32>
    %swap3A_227 = vector.shape_cast %swap3A_226 : vector<1x1x128x160xf32> to vector<128x160xf32>
    %swap3A_228 = vector.shape_cast %concatenate3A_221 : vector<128x160xf32> to vector<1x1x128x160xf32>
    tpu.vector_store %arg3[%swap3A_222, %swap3A_223, %swap3A_224, %swap3A_225], %swap3A_228 {strides = array<i32>} : memref<1x32x128x160xf32, #tpu.memory_space<vmem>>, vector<1x1x128x160xf32>,
    %slice3A_229 = vector.extract_strided_slice %get3A_4 {offsets = [11, 0, 0], sizes = [1, 120, 160], strides = [1, 1, 1]} : vector<17x120x160xf32> to vector<1x120x160xf32>
    %squeeze3A_230 = vector.shape_cast %slice3A_229 : vector<1x120x160xf32> to vector<120x160xf32>
    %mul3A_231 = arith.mulf %squeeze3A_230, %convert_element_type3A_84 : vector<120x160xf32>
    %concatenate3A_232 = tpu.concatenate %mul3A_231, %broadcast_in_dim3A_111 in 0 : vector<120x160xf32>, vector<8x160xf32> -> vector<128x160xf32>
    %swap3A_233 = arith.constant 0 : index
    %swap3A_234 = arith.constant 11 : index
    %swap3A_235 = arith.constant 0 : index
    %swap3A_236 = arith.constant 0 : index
    %swap3A_237 = vector.load %arg3[%swap3A_233, %swap3A_234, %swap3A_235, %swap3A_236] : memref<1x32x128x160xf32, #tpu.memory_space<vmem>>, vector<1x1x128x160xf32>
    %swap3A_238 = vector.shape_cast %swap3A_237 : vector<1x1x128x160xf32> to vector<128x160xf32>
    %swap3A_239 = vector.shape_cast %concatenate3A_232 : vector<128x160xf32> to vector<1x1x128x160xf32>
    tpu.vector_store %arg3[%swap3A_233, %swap3A_234, %swap3A_235, %swap3A_236], %swap3A_239 {strides = array<i32>} : memref<1x32x128x160xf32, #tpu.memory_space<vmem>>, vector<1x1x128x160xf32>,
    %slice3A_240 = vector.extract_strided_slice %get3A_4 {offsets = [12, 0, 0], sizes = [1, 120, 160], strides = [1, 1, 1]} : vector<17x120x160xf32> to vector<1x120x160xf32>
    %squeeze3A_241 = vector.shape_cast %slice3A_240 : vector<1x120x160xf32> to vector<120x160xf32>
    %mul3A_242 = arith.mulf %squeeze3A_241, %convert_element_type3A_84 : vector<120x160xf32>
    %concatenate3A_243 = tpu.concatenate %mul3A_242, %broadcast_in_dim3A_111 in 0 : vector<120x160xf32>, vector<8x160xf32> -> vector<128x160xf32>
    %swap3A_244 = arith.constant 0 : index
    %swap3A_245 = arith.constant 12 : index
    %swap3A_246 = arith.constant 0 : index
    %swap3A_247 = arith.constant 0 : index
    %swap3A_248 = vector.load %arg3[%swap3A_244, %swap3A_245, %swap3A_246, %swap3A_247] : memref<1x32x128x160xf32, #tpu.memory_space<vmem>>, vector<1x1x128x160xf32>
    %swap3A_249 = vector.shape_cast %swap3A_248 : vector<1x1x128x160xf32> to vector<128x160xf32>
    %swap3A_250 = vector.shape_cast %concatenate3A_243 : vector<128x160xf32> to vector<1x1x128x160xf32>
    tpu.vector_store %arg3[%swap3A_244, %swap3A_245, %swap3A_246, %swap3A_247], %swap3A_250 {strides = array<i32>} : memref<1x32x128x160xf32, #tpu.memory_space<vmem>>, vector<1x1x128x160xf32>,
    %slice3A_251 = vector.extract_strided_slice %get3A_4 {offsets = [13, 0, 0], sizes = [1, 120, 160], strides = [1, 1, 1]} : vector<17x120x160xf32> to vector<1x120x160xf32>
    %squeeze3A_252 = vector.shape_cast %slice3A_251 : vector<1x120x160xf32> to vector<120x160xf32>
    %mul3A_253 = arith.mulf %squeeze3A_252, %convert_element_type3A_84 : vector<120x160xf32>
    %concatenate3A_254 = tpu.concatenate %mul3A_253, %broadcast_in_dim3A_111 in 0 : vector<120x160xf32>, vector<8x160xf32> -> vector<128x160xf32>
    %swap3A_255 = arith.constant 0 : index
    %swap3A_256 = arith.constant 13 : index
    %swap3A_257 = arith.constant 0 : index
    %swap3A_258 = arith.constant 0 : index
    %swap3A_259 = vector.load %arg3[%swap3A_255, %swap3A_256, %swap3A_257, %swap3A_258] : memref<1x32x128x160xf32, #tpu.memory_space<vmem>>, vector<1x1x128x160xf32>
    %swap3A_260 = vector.shape_cast %swap3A_259 : vector<1x1x128x160xf32> to vector<128x160xf32>
    %swap3A_261 = vector.shape_cast %concatenate3A_254 : vector<128x160xf32> to vector<1x1x128x160xf32>
    tpu.vector_store %arg3[%swap3A_255, %swap3A_256, %swap3A_257, %swap3A_258], %swap3A_261 {strides = array<i32>} : memref<1x32x128x160xf32, #tpu.memory_space<vmem>>, vector<1x1x128x160xf32>,
    %slice3A_262 = vector.extract_strided_slice %get3A_4 {offsets = [14, 0, 0], sizes = [1, 120, 160], strides = [1, 1, 1]} : vector<17x120x160xf32> to vector<1x120x160xf32>
    %squeeze3A_263 = vector.shape_cast %slice3A_262 : vector<1x120x160xf32> to vector<120x160xf32>
    %mul3A_264 = arith.mulf %squeeze3A_263, %convert_element_type3A_84 : vector<120x160xf32>
    %concatenate3A_265 = tpu.concatenate %mul3A_264, %broadcast_in_dim3A_111 in 0 : vector<120x160xf32>, vector<8x160xf32> -> vector<128x160xf32>
    %swap3A_266 = arith.constant 0 : index
    %swap3A_267 = arith.constant 14 : index
    %swap3A_268 = arith.constant 0 : index
    %swap3A_269 = arith.constant 0 : index
    %swap3A_270 = vector.load %arg3[%swap3A_266, %swap3A_267, %swap3A_268, %swap3A_269] : memref<1x32x128x160xf32, #tpu.memory_space<vmem>>, vector<1x1x128x160xf32>
    %swap3A_271 = vector.shape_cast %swap3A_270 : vector<1x1x128x160xf32> to vector<128x160xf32>
    %swap3A_272 = vector.shape_cast %concatenate3A_265 : vector<128x160xf32> to vector<1x1x128x160xf32>
    tpu.vector_store %arg3[%swap3A_266, %swap3A_267, %swap3A_268, %swap3A_269], %swap3A_272 {strides = array<i32>} : memref<1x32x128x160xf32, #tpu.memory_space<vmem>>, vector<1x1x128x160xf32>,
    %slice3A_273 = vector.extract_strided_slice %get3A_4 {offsets = [15, 0, 0], sizes = [1, 120, 160], strides = [1, 1, 1]} : vector<17x120x160xf32> to vector<1x120x160xf32>
    %squeeze3A_274 = vector.shape_cast %slice3A_273 : vector<1x120x160xf32> to vector<120x160xf32>
    %mul3A_275 = arith.mulf %squeeze3A_274, %convert_element_type3A_84 : vector<120x160xf32>
    %concatenate3A_276 = tpu.concatenate %mul3A_275, %broadcast_in_dim3A_111 in 0 : vector<120x160xf32>, vector<8x160xf32> -> vector<128x160xf32>
    %swap3A_277 = arith.constant 0 : index
    %swap3A_278 = arith.constant 15 : index
    %swap3A_279 = arith.constant 0 : index
    %swap3A_280 = arith.constant 0 : index
    %swap3A_281 = vector.load %arg3[%swap3A_277, %swap3A_278, %swap3A_279, %swap3A_280] : memref<1x32x128x160xf32, #tpu.memory_space<vmem>>, vector<1x1x128x160xf32>
    %swap3A_282 = vector.shape_cast %swap3A_281 : vector<1x1x128x160xf32> to vector<128x160xf32>
    %swap3A_283 = vector.shape_cast %concatenate3A_276 : vector<128x160xf32> to vector<1x1x128x160xf32>
    tpu.vector_store %arg3[%swap3A_277, %swap3A_278, %swap3A_279, %swap3A_280], %swap3A_283 {strides = array<i32>} : memref<1x32x128x160xf32, #tpu.memory_space<vmem>>, vector<1x1x128x160xf32>,
    %slice3A_284 = vector.extract_strided_slice %get3A_4 {offsets = [16, 0, 0], sizes = [1, 120, 160], strides = [1, 1, 1]} : vector<17x120x160xf32> to vector<1x120x160xf32>
    %squeeze3A_285 = vector.shape_cast %slice3A_284 : vector<1x120x160xf32> to vector<120x160xf32>
    %mul3A_286 = arith.mulf %squeeze3A_285, %convert_element_type3A_84 : vector<120x160xf32>
    %concatenate3A_287 = tpu.concatenate %mul3A_286, %broadcast_in_dim3A_111 in 0 : vector<120x160xf32>, vector<8x160xf32> -> vector<128x160xf32>
    %swap3A_288 = arith.constant 0 : index
    %swap3A_289 = arith.constant 16 : index
    %swap3A_290 = arith.constant 0 : index
    %swap3A_291 = arith.constant 0 : index
    %swap3A_292 = vector.load %arg3[%swap3A_288, %swap3A_289, %swap3A_290, %swap3A_291] : memref<1x32x128x160xf32, #tpu.memory_space<vmem>>, vector<1x1x128x160xf32>
    %swap3A_293 = vector.shape_cast %swap3A_292 : vector<1x1x128x160xf32> to vector<128x160xf32>
    %swap3A_294 = vector.shape_cast %concatenate3A_287 : vector<128x160xf32> to vector<1x1x128x160xf32>
    tpu.vector_store %arg3[%swap3A_288, %swap3A_289, %swap3A_290, %swap3A_291], %swap3A_294 {strides = array<i32>} : memref<1x32x128x160xf32, #tpu.memory_space<vmem>>, vector<1x1x128x160xf32>,
    %concatenate3A_295 = tpu.concatenate %select_n3A_94, %broadcast_in_dim3A_111 in 0 : vector<120x160xf32>, vector<8x160xf32> -> vector<128x160xf32>
    %swap3A_296 = arith.constant 0 : index
    %swap3A_297 = arith.constant 17 : index
    %swap3A_298 = arith.constant 0 : index
    %swap3A_299 = arith.constant 0 : index
    %swap3A_300 = vector.load %arg3[%swap3A_296, %swap3A_297, %swap3A_298, %swap3A_299] : memref<1x32x128x160xf32, #tpu.memory_space<vmem>>, vector<1x1x128x160xf32>
    %swap3A_301 = vector.shape_cast %swap3A_300 : vector<1x1x128x160xf32> to vector<128x160xf32>
    %swap3A_302 = vector.shape_cast %concatenate3A_295 : vector<128x160xf32> to vector<1x1x128x160xf32>
    tpu.vector_store %arg3[%swap3A_296, %swap3A_297, %swap3A_298, %swap3A_299], %swap3A_302 {strides = array<i32>} : memref<1x32x128x160xf32, #tpu.memory_space<vmem>>, vector<1x1x128x160xf32>,
    %swap3A_303 = arith.constant 0 : index
    %swap3A_304 = arith.constant 18 : index
    %swap3A_305 = arith.constant 0 : index
    %swap3A_306 = arith.constant 0 : index
    %swap3A_307 = vector.load %arg3[%swap3A_303, %swap3A_304, %swap3A_305, %swap3A_306] : memref<1x32x128x160xf32, #tpu.memory_space<vmem>>, vector<1x1x128x160xf32>
    %swap3A_308 = vector.shape_cast %swap3A_307 : vector<1x1x128x160xf32> to vector<128x160xf32>
    %swap3A_309 = vector.shape_cast %broadcast_in_dim3A_109 : vector<128x160xf32> to vector<1x1x128x160xf32>
    tpu.vector_store %arg3[%swap3A_303, %swap3A_304, %swap3A_305, %swap3A_306], %swap3A_309 {strides = array<i32>} : memref<1x32x128x160xf32, #tpu.memory_space<vmem>>, vector<1x1x128x160xf32>,
    %swap3A_310 = arith.constant 0 : index
    %swap3A_311 = arith.constant 19 : index
    %swap3A_312 = arith.constant 0 : index
    %swap3A_313 = arith.constant 0 : index
    %swap3A_314 = vector.load %arg3[%swap3A_310, %swap3A_311, %swap3A_312, %swap3A_313] : memref<1x32x128x160xf32, #tpu.memory_space<vmem>>, vector<1x1x128x160xf32>
    %swap3A_315 = vector.shape_cast %swap3A_314 : vector<1x1x128x160xf32> to vector<128x160xf32>
    %swap3A_316 = vector.shape_cast %broadcast_in_dim3A_109 : vector<128x160xf32> to vector<1x1x128x160xf32>
    tpu.vector_store %arg3[%swap3A_310, %swap3A_311, %swap3A_312, %swap3A_313], %swap3A_316 {strides = array<i32>} : memref<1x32x128x160xf32, #tpu.memory_space<vmem>>, vector<1x1x128x160xf32>,
    %swap3A_317 = arith.constant 0 : index
    %swap3A_318 = arith.constant 20 : index
    %swap3A_319 = arith.constant 0 : index
    %swap3A_320 = arith.constant 0 : index
    %swap3A_321 = vector.load %arg3[%swap3A_317, %swap3A_318, %swap3A_319, %swap3A_320] : memref<1x32x128x160xf32, #tpu.memory_space<vmem>>, vector<1x1x128x160xf32>
    %swap3A_322 = vector.shape_cast %swap3A_321 : vector<1x1x128x160xf32> to vector<128x160xf32>
    %swap3A_323 = vector.shape_cast %broadcast_in_dim3A_109 : vector<128x160xf32> to vector<1x1x128x160xf32>
    tpu.vector_store %arg3[%swap3A_317, %swap3A_318, %swap3A_319, %swap3A_320], %swap3A_323 {strides = array<i32>} : memref<1x32x128x160xf32, #tpu.memory_space<vmem>>, vector<1x1x128x160xf32>,
    %swap3A_324 = arith.constant 0 : index
    %swap3A_325 = arith.constant 21 : index
    %swap3A_326 = arith.constant 0 : index
    %swap3A_327 = arith.constant 0 : index
    %swap3A_328 = vector.load %arg3[%swap3A_324, %swap3A_325, %swap3A_326, %swap3A_327] : memref<1x32x128x160xf32, #tpu.memory_space<vmem>>, vector<1x1x128x160xf32>
    %swap3A_329 = vector.shape_cast %swap3A_328 : vector<1x1x128x160xf32> to vector<128x160xf32>
    %swap3A_330 = vector.shape_cast %broadcast_in_dim3A_109 : vector<128x160xf32> to vector<1x1x128x160xf32>
    tpu.vector_store %arg3[%swap3A_324, %swap3A_325, %swap3A_326, %swap3A_327], %swap3A_330 {strides = array<i32>} : memref<1x32x128x160xf32, #tpu.memory_space<vmem>>, vector<1x1x128x160xf32>,
    %swap3A_331 = arith.constant 0 : index
    %swap3A_332 = arith.constant 22 : index
    %swap3A_333 = arith.constant 0 : index
    %swap3A_334 = arith.constant 0 : index
    %swap3A_335 = vector.load %arg3[%swap3A_331, %swap3A_332, %swap3A_333, %swap3A_334] : memref<1x32x128x160xf32, #tpu.memory_space<vmem>>, vector<1x1x128x160xf32>
    %swap3A_336 = vector.shape_cast %swap3A_335 : vector<1x1x128x160xf32> to vector<128x160xf32>
    %swap3A_337 = vector.shape_cast %broadcast_in_dim3A_109 : vector<128x160xf32> to vector<1x1x128x160xf32>
    tpu.vector_store %arg3[%swap3A_331, %swap3A_332, %swap3A_333, %swap3A_334], %swap3A_337 {strides = array<i32>} : memref<1x32x128x160xf32, #tpu.memory_space<vmem>>, vector<1x1x128x160xf32>,
    %swap3A_338 = arith.constant 0 : index
    %swap3A_339 = arith.constant 23 : index
    %swap3A_340 = arith.constant 0 : index
    %swap3A_341 = arith.constant 0 : index
    %swap3A_342 = vector.load %arg3[%swap3A_338, %swap3A_339, %swap3A_340, %swap3A_341] : memref<1x32x128x160xf32, #tpu.memory_space<vmem>>, vector<1x1x128x160xf32>
    %swap3A_343 = vector.shape_cast %swap3A_342 : vector<1x1x128x160xf32> to vector<128x160xf32>
    %swap3A_344 = vector.shape_cast %broadcast_in_dim3A_109 : vector<128x160xf32> to vector<1x1x128x160xf32>
    tpu.vector_store %arg3[%swap3A_338, %swap3A_339, %swap3A_340, %swap3A_341], %swap3A_344 {strides = array<i32>} : memref<1x32x128x160xf32, #tpu.memory_space<vmem>>, vector<1x1x128x160xf32>,
    %swap3A_345 = arith.constant 0 : index
    %swap3A_346 = arith.constant 24 : index
    %swap3A_347 = arith.constant 0 : index
    %swap3A_348 = arith.constant 0 : index
    %swap3A_349 = vector.load %arg3[%swap3A_345, %swap3A_346, %swap3A_347, %swap3A_348] : memref<1x32x128x160xf32, #tpu.memory_space<vmem>>, vector<1x1x128x160xf32>
    %swap3A_350 = vector.shape_cast %swap3A_349 : vector<1x1x128x160xf32> to vector<128x160xf32>
    %swap3A_351 = vector.shape_cast %broadcast_in_dim3A_109 : vector<128x160xf32> to vector<1x1x128x160xf32>
    tpu.vector_store %arg3[%swap3A_345, %swap3A_346, %swap3A_347, %swap3A_348], %swap3A_351 {strides = array<i32>} : memref<1x32x128x160xf32, #tpu.memory_space<vmem>>, vector<1x1x128x160xf32>,
    %swap3A_352 = arith.constant 0 : index
    %swap3A_353 = arith.constant 25 : index
    %swap3A_354 = arith.constant 0 : index
    %swap3A_355 = arith.constant 0 : index
    %swap3A_356 = vector.load %arg3[%swap3A_352, %swap3A_353, %swap3A_354, %swap3A_355] : memref<1x32x128x160xf32, #tpu.memory_space<vmem>>, vector<1x1x128x160xf32>
    %swap3A_357 = vector.shape_cast %swap3A_356 : vector<1x1x128x160xf32> to vector<128x160xf32>
    %swap3A_358 = vector.shape_cast %broadcast_in_dim3A_109 : vector<128x160xf32> to vector<1x1x128x160xf32>
    tpu.vector_store %arg3[%swap3A_352, %swap3A_353, %swap3A_354, %swap3A_355], %swap3A_358 {strides = array<i32>} : memref<1x32x128x160xf32, #tpu.memory_space<vmem>>, vector<1x1x128x160xf32>,
    %swap3A_359 = arith.constant 0 : index
    %swap3A_360 = arith.constant 26 : index
    %swap3A_361 = arith.constant 0 : index
    %swap3A_362 = arith.constant 0 : index
    %swap3A_363 = vector.load %arg3[%swap3A_359, %swap3A_360, %swap3A_361, %swap3A_362] : memref<1x32x128x160xf32, #tpu.memory_space<vmem>>, vector<1x1x128x160xf32>
    %swap3A_364 = vector.shape_cast %swap3A_363 : vector<1x1x128x160xf32> to vector<128x160xf32>
    %swap3A_365 = vector.shape_cast %broadcast_in_dim3A_109 : vector<128x160xf32> to vector<1x1x128x160xf32>
    tpu.vector_store %arg3[%swap3A_359, %swap3A_360, %swap3A_361, %swap3A_362], %swap3A_365 {strides = array<i32>} : memref<1x32x128x160xf32, #tpu.memory_space<vmem>>, vector<1x1x128x160xf32>,
    %swap3A_366 = arith.constant 0 : index
    %swap3A_367 = arith.constant 27 : index
    %swap3A_368 = arith.constant 0 : index
    %swap3A_369 = arith.constant 0 : index
    %swap3A_370 = vector.load %arg3[%swap3A_366, %swap3A_367, %swap3A_368, %swap3A_369] : memref<1x32x128x160xf32, #tpu.memory_space<vmem>>, vector<1x1x128x160xf32>
    %swap3A_371 = vector.shape_cast %swap3A_370 : vector<1x1x128x160xf32> to vector<128x160xf32>
    %swap3A_372 = vector.shape_cast %broadcast_in_dim3A_109 : vector<128x160xf32> to vector<1x1x128x160xf32>
    tpu.vector_store %arg3[%swap3A_366, %swap3A_367, %swap3A_368, %swap3A_369], %swap3A_372 {strides = array<i32>} : memref<1x32x128x160xf32, #tpu.memory_space<vmem>>, vector<1x1x128x160xf32>,
    %swap3A_373 = arith.constant 0 : index
    %swap3A_374 = arith.constant 28 : index
    %swap3A_375 = arith.constant 0 : index
    %swap3A_376 = arith.constant 0 : index
    %swap3A_377 = vector.load %arg3[%swap3A_373, %swap3A_374, %swap3A_375, %swap3A_376] : memref<1x32x128x160xf32, #tpu.memory_space<vmem>>, vector<1x1x128x160xf32>
    %swap3A_378 = vector.shape_cast %swap3A_377 : vector<1x1x128x160xf32> to vector<128x160xf32>
    %swap3A_379 = vector.shape_cast %broadcast_in_dim3A_109 : vector<128x160xf32> to vector<1x1x128x160xf32>
    tpu.vector_store %arg3[%swap3A_373, %swap3A_374, %swap3A_375, %swap3A_376], %swap3A_379 {strides = array<i32>} : memref<1x32x128x160xf32, #tpu.memory_space<vmem>>, vector<1x1x128x160xf32>,
    %swap3A_380 = arith.constant 0 : index
    %swap3A_381 = arith.constant 29 : index
    %swap3A_382 = arith.constant 0 : index
    %swap3A_383 = arith.constant 0 : index
    %swap3A_384 = vector.load %arg3[%swap3A_380, %swap3A_381, %swap3A_382, %swap3A_383] : memref<1x32x128x160xf32, #tpu.memory_space<vmem>>, vector<1x1x128x160xf32>
    %swap3A_385 = vector.shape_cast %swap3A_384 : vector<1x1x128x160xf32> to vector<128x160xf32>
    %swap3A_386 = vector.shape_cast %broadcast_in_dim3A_109 : vector<128x160xf32> to vector<1x1x128x160xf32>
    tpu.vector_store %arg3[%swap3A_380, %swap3A_381, %swap3A_382, %swap3A_383], %swap3A_386 {strides = array<i32>} : memref<1x32x128x160xf32, #tpu.memory_space<vmem>>, vector<1x1x128x160xf32>,
    %swap3A_387 = arith.constant 0 : index
    %swap3A_388 = arith.constant 30 : index
    %swap3A_389 = arith.constant 0 : index
    %swap3A_390 = arith.constant 0 : index
    %swap3A_391 = vector.load %arg3[%swap3A_387, %swap3A_388, %swap3A_389, %swap3A_390] : memref<1x32x128x160xf32, #tpu.memory_space<vmem>>, vector<1x1x128x160xf32>
    %swap3A_392 = vector.shape_cast %swap3A_391 : vector<1x1x128x160xf32> to vector<128x160xf32>
    %swap3A_393 = vector.shape_cast %broadcast_in_dim3A_109 : vector<128x160xf32> to vector<1x1x128x160xf32>
    tpu.vector_store %arg3[%swap3A_387, %swap3A_388, %swap3A_389, %swap3A_390], %swap3A_393 {strides = array<i32>} : memref<1x32x128x160xf32, #tpu.memory_space<vmem>>, vector<1x1x128x160xf32>,
    %swap3A_394 = arith.constant 0 : index
    %swap3A_395 = arith.constant 31 : index
    %swap3A_396 = arith.constant 0 : index
    %swap3A_397 = arith.constant 0 : index
    %swap3A_398 = vector.load %arg3[%swap3A_394, %swap3A_395, %swap3A_396, %swap3A_397] : memref<1x32x128x160xf32, #tpu.memory_space<vmem>>, vector<1x1x128x160xf32>
    %swap3A_399 = vector.shape_cast %swap3A_398 : vector<1x1x128x160xf32> to vector<128x160xf32>
    %swap3A_400 = vector.shape_cast %broadcast_in_dim3A_109 : vector<128x160xf32> to vector<1x1x128x160xf32>
    tpu.vector_store %arg3[%swap3A_394, %swap3A_395, %swap3A_396, %swap3A_397], %swap3A_400 {strides = array<i32>} : memref<1x32x128x160xf32, #tpu.memory_space<vmem>>, vector<1x1x128x160xf32>,
    return
  }
  func.func @transform_0(%arg0: i32) -> (i32, i32, i32, i32) {
    %c0_i32 = arith.constant 0 : i32
    %c0_i32_0 = arith.constant 0 : i32
    %c0_i32_1 = arith.constant 0 : i32
    %c0_i32_2 = arith.constant 0 : i32
    return %arg0, %c0_i32, %c0_i32_0, %c0_i32_1 : i32, i32, i32, i32
  }
  func.func @transform_1(%arg0: i32) -> (i32, i32, i32) {
    %c0_i32 = arith.constant 0 : i32
    %c0_i32_0 = arith.constant 0 : i32
    %c0_i32_1 = arith.constant 0 : i32
    return %arg0, %c0_i32, %c0_i32_0 : i32, i32, i32
  }
  func.func @transform_2(%arg0: i32) -> (i32, i32, i32, i32) {
    %c0_i32 = arith.constant 0 : i32
    %c0_i32_0 = arith.constant 0 : i32
    %c0_i32_1 = arith.constant 0 : i32
    %c0_i32_2 = arith.constant 0 : i32
    return %arg0, %c0_i32, %c0_i32_0, %c0_i32_1 : i32, i32, i32, i32
  }
}

module attributes {stable_mosaic.version = 14 : i64} {
  func.func @_asm_body(%arg0: i32, %arg1: i32, %arg2: memref<1x2x1x100x100xf32, #tpu.memory_space<vmem>>, %arg3: memref<1x1x240x240xf32, #tpu.memory_space<vmem>>, %arg4: memref<1x1x480x480xf32, #tpu.memory_space<vmem>>, %arg5: memref<2x2x2xi32, #tpu.memory_space<smem>>, %arg6: memref<2x2x2xi32, #tpu.memory_space<smem>>, %arg7: memref<1x2x1x240x240xf32, #tpu.memory_space<vmem>>, %arg8: memref<1x1x240x240xf32, #tpu.memory_space<vmem>>, %arg9: memref<1x1x480x480xf32, #tpu.memory_space<vmem>>) attributes {dimension_semantics = [#tpu.dimension_semantics<arbitrary>, #tpu.dimension_semantics<arbitrary>], iteration_bounds = array<i64: 2, 20>, scalar_prefetch = 0 : i64, scratch_operands = 0 : i64, tpu.core_type = #tpu.core_type<tc>, window_params = [{transform_indices = @transform_0, window_bounds = array<i64: 1, 2, 1, 100, 100>}, {transform_indices = @transform_1, window_bounds = array<i64: 1, 1, 240, 240>}, {transform_indices = @transform_2, window_bounds = array<i64: 1, 1, 480, 480>}, {transform_indices = @transform_3, window_bounds = array<i64: 2, 2, 2>}, {transform_indices = @transform_4, window_bounds = array<i64: 2, 2, 2>}, {transform_indices = @transform_5, window_bounds = array<i64: 1, 2, 1, 240, 240>}, {transform_indices = @transform_6, window_bounds = array<i64: 1, 1, 240, 240>}, {transform_indices = @transform_7, window_bounds = array<i64: 1, 1, 480, 480>}]} {
    %eq3A = arith.constant 2 : i32
    %eq3A_0 = arith.cmpi eq, %arg1, %eq3A : i32
    %eq3A_1 = arith.constant 3 : i32
    %eq3A_2 = arith.cmpi eq, %arg1, %eq3A_1 : i32
    %or3A = arith.ori %eq3A_0, %eq3A_2 : i1
    %ge3A = arith.constant 4 : i32
    %ge3A_3 = arith.cmpi sge, %arg1, %ge3A : i32
    %jit3A = arith.constant 5.000000e+00 : f32
    %jit3A_4 = arith.constant 1.000000e+00 : f32
    %select_n3A = arith.select %ge3A_3, %jit3A, %jit3A_4 : f32
    %get3A = arith.constant 0 : index
    %get3A_5 = arith.constant 0 : index
    %get3A_6 = arith.constant 0 : index
    %get3A_7 = arith.constant 0 : index
    %get3A_8 = vector.load %arg3[%get3A, %get3A_5, %get3A_6, %get3A_7] : memref<1x1x240x240xf32, #tpu.memory_space<vmem>>, vector<1x1x240x240xf32>
    %get3A_9 = vector.shape_cast %get3A_8 : vector<1x1x240x240xf32> to vector<240x240xf32>
    %iota3A = tpu.iota {dimensions = array<i32: 0>} : vector<240x240xi32>
    %iota3A_10 = tpu.iota {dimensions = array<i32: 1>} : vector<240x240xi32>
    %get3A_11 = arith.constant 0 : index
    %get3A_12 = arith.constant 0 : index
    %get3A_13 = arith.constant 0 : index
    %get3A_14 = arith.constant 0 : index
    %get3A_15 = arith.constant 0 : index
    %get3A_16 = vector.load %arg2[%get3A_11, %get3A_12, %get3A_13, %get3A_14, %get3A_15] : memref<1x2x1x100x100xf32, #tpu.memory_space<vmem>>, vector<1x1x1x100x100xf32>
    %get3A_17 = vector.shape_cast %get3A_16 : vector<1x1x1x100x100xf32> to vector<100x100xf32>
    %div3A = vector.broadcast %select_n3A : f32 to vector<100x100xf32>
    %div3A_18 = arith.divf %get3A_17, %div3A : vector<100x100xf32>
    %jit3A_19 = arith.constant 0.000000e+00 : f32
    %jit3A_20 = arith.constant 1.000000e+00 : f32
    %max3A = vector.broadcast %jit3A_19 : f32 to vector<100x100xf32>
    %max3A_21 = arith.maximumf %max3A, %div3A_18 : vector<100x100xf32>
    %min3A = vector.broadcast %jit3A_20 : f32 to vector<100x100xf32>
    %min3A_22 = arith.minimumf %min3A, %max3A_21 : vector<100x100xf32>
    %jit3A_23 = arith.constant 0.000000e+00 : f32
    %broadcast_in_dim3A = vector.broadcast %jit3A_23 : f32 to vector<100x100xf32>
    %select_n3A_24 = arith.select %or3A, %broadcast_in_dim3A, %min3A_22 : vector<100x100xf32>
    %broadcast_in_dim3A_25 = arith.constant 0.000000e+00 : f32
    %broadcast_in_dim3A_26 = vector.broadcast %broadcast_in_dim3A_25 : f32 to vector<100x70xf32>
    %broadcast_in_dim3A_27 = arith.constant 0.000000e+00 : f32
    %broadcast_in_dim3A_28 = vector.broadcast %broadcast_in_dim3A_27 : f32 to vector<100x70xf32>
    %concatenate3A = tpu.concatenate %broadcast_in_dim3A_26, %select_n3A_24, %broadcast_in_dim3A_28 in 1 : vector<100x70xf32>, vector<100x100xf32>, vector<100x70xf32> -> vector<100x240xf32>
    %broadcast_in_dim3A_29 = arith.constant 0.000000e+00 : f32
    %broadcast_in_dim3A_30 = vector.broadcast %broadcast_in_dim3A_29 : f32 to vector<120x240xf32>
    %broadcast_in_dim3A_31 = arith.constant 0.000000e+00 : f32
    %broadcast_in_dim3A_32 = vector.broadcast %broadcast_in_dim3A_31 : f32 to vector<20x240xf32>
    %concatenate3A_33 = tpu.concatenate %broadcast_in_dim3A_30, %concatenate3A, %broadcast_in_dim3A_32 in 0 : vector<120x240xf32>, vector<100x240xf32>, vector<20x240xf32> -> vector<240x240xf32>
    %get3A_34 = arith.index_cast %arg0 : i32 to index
    %get3A_35 = arith.constant 0 : index
    %get3A_36 = arith.constant 0 : index
    %get3A_37 = memref.load %arg5[%get3A_34, %get3A_35, %get3A_36] : memref<2x2x2xi32, #tpu.memory_space<smem>>
    %get3A_38 = arith.index_cast %arg0 : i32 to index
    %get3A_39 = arith.constant 0 : index
    %get3A_40 = arith.constant 1 : index
    %get3A_41 = memref.load %arg5[%get3A_38, %get3A_39, %get3A_40] : memref<2x2x2xi32, #tpu.memory_space<smem>>
    %roll3A = tpu.dynamic_rotate %concatenate3A_33 by %get3A_37 dim 0 : vector<240x240xf32>, i32 -> vector<240x240xf32>
    %roll3A_42 = tpu.dynamic_rotate %roll3A by %get3A_41 dim 1 : vector<240x240xf32>, i32 -> vector<240x240xf32>
    %max3A_43 = arith.maximumf %get3A_9, %roll3A_42 : vector<240x240xf32>
    %get3A_44 = arith.index_cast %arg0 : i32 to index
    %get3A_45 = arith.constant 0 : index
    %get3A_46 = arith.constant 0 : index
    %get3A_47 = memref.load %arg6[%get3A_44, %get3A_45, %get3A_46] : memref<2x2x2xi32, #tpu.memory_space<smem>>
    %eq3A_48 = vector.broadcast %get3A_47 : i32 to vector<240x240xi32>
    %eq3A_49 = arith.cmpi eq, %iota3A, %eq3A_48 : vector<240x240xi32>
    %get3A_50 = arith.index_cast %arg0 : i32 to index
    %get3A_51 = arith.constant 0 : index
    %get3A_52 = arith.constant 1 : index
    %get3A_53 = memref.load %arg6[%get3A_50, %get3A_51, %get3A_52] : memref<2x2x2xi32, #tpu.memory_space<smem>>
    %eq3A_54 = vector.broadcast %get3A_53 : i32 to vector<240x240xi32>
    %eq3A_55 = arith.cmpi eq, %iota3A_10, %eq3A_54 : vector<240x240xi32>
    %and3A = arith.andi %eq3A_49, %eq3A_55 : vector<240x240xi1>
    %convert_element_type3A = arith.extui %and3A : vector<240x240xi1> to vector<240x240xi32>
    %convert_element_type3A_56 = arith.sitofp %convert_element_type3A : vector<240x240xi32> to vector<240x240xf32>
    %max3A_57 = arith.maximumf %max3A_43, %convert_element_type3A_56 : vector<240x240xf32>
    %select_n3A_58 = arith.select %eq3A_2, %max3A_57, %max3A_43 : vector<240x240xf32>
    %select_n3A_59 = arith.select %eq3A_0, %convert_element_type3A_56, %select_n3A_58 : vector<240x240xf32>
    %swap3A = arith.constant 0 : index
    %swap3A_60 = arith.constant 0 : index
    %swap3A_61 = arith.constant 0 : index
    %swap3A_62 = arith.constant 0 : index
    %swap3A_63 = arith.constant 0 : index
    %swap3A_64 = vector.load %arg7[%swap3A, %swap3A_60, %swap3A_61, %swap3A_62, %swap3A_63] : memref<1x2x1x240x240xf32, #tpu.memory_space<vmem>>, vector<1x1x1x240x240xf32>
    %swap3A_65 = vector.shape_cast %swap3A_64 : vector<1x1x1x240x240xf32> to vector<240x240xf32>
    %swap3A_66 = vector.shape_cast %select_n3A_59 : vector<240x240xf32> to vector<1x1x1x240x240xf32>
    tpu.vector_store %arg7[%swap3A, %swap3A_60, %swap3A_61, %swap3A_62, %swap3A_63], %swap3A_66 {strides = array<i32>} : memref<1x2x1x240x240xf32, #tpu.memory_space<vmem>>, vector<1x1x1x240x240xf32>,
    %get3A_67 = arith.constant 0 : index
    %get3A_68 = arith.constant 1 : index
    %get3A_69 = arith.constant 0 : index
    %get3A_70 = arith.constant 0 : index
    %get3A_71 = arith.constant 0 : index
    %get3A_72 = vector.load %arg2[%get3A_67, %get3A_68, %get3A_69, %get3A_70, %get3A_71] : memref<1x2x1x100x100xf32, #tpu.memory_space<vmem>>, vector<1x1x1x100x100xf32>
    %get3A_73 = vector.shape_cast %get3A_72 : vector<1x1x1x100x100xf32> to vector<100x100xf32>
    %div3A_74 = vector.broadcast %select_n3A : f32 to vector<100x100xf32>
    %div3A_75 = arith.divf %get3A_73, %div3A_74 : vector<100x100xf32>
    %jit3A_76 = arith.constant 0.000000e+00 : f32
    %jit3A_77 = arith.constant 1.000000e+00 : f32
    %max3A_78 = vector.broadcast %jit3A_76 : f32 to vector<100x100xf32>
    %max3A_79 = arith.maximumf %max3A_78, %div3A_75 : vector<100x100xf32>
    %min3A_80 = vector.broadcast %jit3A_77 : f32 to vector<100x100xf32>
    %min3A_81 = arith.minimumf %min3A_80, %max3A_79 : vector<100x100xf32>
    %jit3A_82 = arith.constant 0.000000e+00 : f32
    %broadcast_in_dim3A_83 = vector.broadcast %jit3A_82 : f32 to vector<100x100xf32>
    %select_n3A_84 = arith.select %or3A, %broadcast_in_dim3A_83, %min3A_81 : vector<100x100xf32>
    %broadcast_in_dim3A_85 = arith.constant 0.000000e+00 : f32
    %broadcast_in_dim3A_86 = vector.broadcast %broadcast_in_dim3A_85 : f32 to vector<100x70xf32>
    %broadcast_in_dim3A_87 = arith.constant 0.000000e+00 : f32
    %broadcast_in_dim3A_88 = vector.broadcast %broadcast_in_dim3A_87 : f32 to vector<100x70xf32>
    %concatenate3A_89 = tpu.concatenate %broadcast_in_dim3A_86, %select_n3A_84, %broadcast_in_dim3A_88 in 1 : vector<100x70xf32>, vector<100x100xf32>, vector<100x70xf32> -> vector<100x240xf32>
    %broadcast_in_dim3A_90 = arith.constant 0.000000e+00 : f32
    %broadcast_in_dim3A_91 = vector.broadcast %broadcast_in_dim3A_90 : f32 to vector<120x240xf32>
    %broadcast_in_dim3A_92 = arith.constant 0.000000e+00 : f32
    %broadcast_in_dim3A_93 = vector.broadcast %broadcast_in_dim3A_92 : f32 to vector<20x240xf32>
    %concatenate3A_94 = tpu.concatenate %broadcast_in_dim3A_91, %concatenate3A_89, %broadcast_in_dim3A_93 in 0 : vector<120x240xf32>, vector<100x240xf32>, vector<20x240xf32> -> vector<240x240xf32>
    %get3A_95 = arith.index_cast %arg0 : i32 to index
    %get3A_96 = arith.constant 1 : index
    %get3A_97 = arith.constant 0 : index
    %get3A_98 = memref.load %arg5[%get3A_95, %get3A_96, %get3A_97] : memref<2x2x2xi32, #tpu.memory_space<smem>>
    %get3A_99 = arith.index_cast %arg0 : i32 to index
    %get3A_100 = arith.constant 1 : index
    %get3A_101 = arith.constant 1 : index
    %get3A_102 = memref.load %arg5[%get3A_99, %get3A_100, %get3A_101] : memref<2x2x2xi32, #tpu.memory_space<smem>>
    %roll3A_103 = tpu.dynamic_rotate %concatenate3A_94 by %get3A_98 dim 0 : vector<240x240xf32>, i32 -> vector<240x240xf32>
    %roll3A_104 = tpu.dynamic_rotate %roll3A_103 by %get3A_102 dim 1 : vector<240x240xf32>, i32 -> vector<240x240xf32>
    %max3A_105 = arith.maximumf %select_n3A_59, %roll3A_104 : vector<240x240xf32>
    %get3A_106 = arith.index_cast %arg0 : i32 to index
    %get3A_107 = arith.constant 1 : index
    %get3A_108 = arith.constant 0 : index
    %get3A_109 = memref.load %arg6[%get3A_106, %get3A_107, %get3A_108] : memref<2x2x2xi32, #tpu.memory_space<smem>>
    %eq3A_110 = vector.broadcast %get3A_109 : i32 to vector<240x240xi32>
    %eq3A_111 = arith.cmpi eq, %iota3A, %eq3A_110 : vector<240x240xi32>
    %get3A_112 = arith.index_cast %arg0 : i32 to index
    %get3A_113 = arith.constant 1 : index
    %get3A_114 = arith.constant 1 : index
    %get3A_115 = memref.load %arg6[%get3A_112, %get3A_113, %get3A_114] : memref<2x2x2xi32, #tpu.memory_space<smem>>
    %eq3A_116 = vector.broadcast %get3A_115 : i32 to vector<240x240xi32>
    %eq3A_117 = arith.cmpi eq, %iota3A_10, %eq3A_116 : vector<240x240xi32>
    %and3A_118 = arith.andi %eq3A_111, %eq3A_117 : vector<240x240xi1>
    %convert_element_type3A_119 = arith.extui %and3A_118 : vector<240x240xi1> to vector<240x240xi32>
    %convert_element_type3A_120 = arith.sitofp %convert_element_type3A_119 : vector<240x240xi32> to vector<240x240xf32>
    %max3A_121 = arith.maximumf %max3A_105, %convert_element_type3A_120 : vector<240x240xf32>
    %select_n3A_122 = arith.select %eq3A_2, %max3A_121, %max3A_105 : vector<240x240xf32>
    %select_n3A_123 = arith.select %eq3A_0, %convert_element_type3A_120, %select_n3A_122 : vector<240x240xf32>
    %swap3A_124 = arith.constant 0 : index
    %swap3A_125 = arith.constant 1 : index
    %swap3A_126 = arith.constant 0 : index
    %swap3A_127 = arith.constant 0 : index
    %swap3A_128 = arith.constant 0 : index
    %swap3A_129 = vector.load %arg7[%swap3A_124, %swap3A_125, %swap3A_126, %swap3A_127, %swap3A_128] : memref<1x2x1x240x240xf32, #tpu.memory_space<vmem>>, vector<1x1x1x240x240xf32>
    %swap3A_130 = vector.shape_cast %swap3A_129 : vector<1x1x1x240x240xf32> to vector<240x240xf32>
    %swap3A_131 = vector.shape_cast %select_n3A_123 : vector<240x240xf32> to vector<1x1x1x240x240xf32>
    tpu.vector_store %arg7[%swap3A_124, %swap3A_125, %swap3A_126, %swap3A_127, %swap3A_128], %swap3A_131 {strides = array<i32>} : memref<1x2x1x240x240xf32, #tpu.memory_space<vmem>>, vector<1x1x1x240x240xf32>,
    %swap3A_132 = arith.constant 0 : index
    %swap3A_133 = arith.constant 0 : index
    %swap3A_134 = arith.constant 0 : index
    %swap3A_135 = arith.constant 0 : index
    %swap3A_136 = vector.load %arg8[%swap3A_132, %swap3A_133, %swap3A_134, %swap3A_135] : memref<1x1x240x240xf32, #tpu.memory_space<vmem>>, vector<1x1x240x240xf32>
    %swap3A_137 = vector.shape_cast %swap3A_136 : vector<1x1x240x240xf32> to vector<240x240xf32>
    %swap3A_138 = vector.shape_cast %select_n3A_123 : vector<240x240xf32> to vector<1x1x240x240xf32>
    tpu.vector_store %arg8[%swap3A_132, %swap3A_133, %swap3A_134, %swap3A_135], %swap3A_138 {strides = array<i32>} : memref<1x1x240x240xf32, #tpu.memory_space<vmem>>, vector<1x1x240x240xf32>,
    %get3A_139 = arith.constant 0 : index
    %get3A_140 = arith.constant 0 : index
    %get3A_141 = arith.constant 0 : index
    %get3A_142 = arith.constant 0 : index
    %get3A_143 = vector.load %arg4[%get3A_139, %get3A_140, %get3A_141, %get3A_142] : memref<1x1x480x480xf32, #tpu.memory_space<vmem>>, vector<1x1x480x480xf32>
    %get3A_144 = vector.shape_cast %get3A_143 : vector<1x1x480x480xf32> to vector<480x480xf32>
    %slice3A = vector.extract_strided_slice %get3A_144 {offsets = [120, 0], sizes = [240, 120], strides = [1, 1]} : vector<480x480xf32> to vector<240x120xf32>
    %slice3A_145 = vector.extract_strided_slice %get3A_144 {offsets = [120, 360], sizes = [240, 120], strides = [1, 1]} : vector<480x480xf32> to vector<240x120xf32>
    %concatenate3A_146 = tpu.concatenate %slice3A, %select_n3A_123, %slice3A_145 in 1 : vector<240x120xf32>, vector<240x240xf32>, vector<240x120xf32> -> vector<240x480xf32>
    %slice3A_147 = vector.extract_strided_slice %get3A_144 {offsets = [0, 0], sizes = [120, 480], strides = [1, 1]} : vector<480x480xf32> to vector<120x480xf32>
    %slice3A_148 = vector.extract_strided_slice %get3A_144 {offsets = [360, 0], sizes = [120, 480], strides = [1, 1]} : vector<480x480xf32> to vector<120x480xf32>
    %concatenate3A_149 = tpu.concatenate %slice3A_147, %concatenate3A_146, %slice3A_148 in 0 : vector<120x480xf32>, vector<240x480xf32>, vector<120x480xf32> -> vector<480x480xf32>
    %swap3A_150 = arith.constant 0 : index
    %swap3A_151 = arith.constant 0 : index
    %swap3A_152 = arith.constant 0 : index
    %swap3A_153 = arith.constant 0 : index
    %swap3A_154 = vector.load %arg9[%swap3A_150, %swap3A_151, %swap3A_152, %swap3A_153] : memref<1x1x480x480xf32, #tpu.memory_space<vmem>>, vector<1x1x480x480xf32>
    %swap3A_155 = vector.shape_cast %swap3A_154 : vector<1x1x480x480xf32> to vector<480x480xf32>
    %swap3A_156 = vector.shape_cast %concatenate3A_149 : vector<480x480xf32> to vector<1x1x480x480xf32>
    tpu.vector_store %arg9[%swap3A_150, %swap3A_151, %swap3A_152, %swap3A_153], %swap3A_156 {strides = array<i32>} : memref<1x1x480x480xf32, #tpu.memory_space<vmem>>, vector<1x1x480x480xf32>,
    return
  }
  func.func @transform_0(%arg0: i32, %arg1: i32) -> (i32, i32, i32, i32, i32) {
    %eq3A = arith.constant 0 : i32
    %eq3A_0 = arith.cmpi eq, %arg1, %eq3A : i32
    %lt3A = arith.constant 4 : i32
    %lt3A_1 = arith.cmpi slt, %arg1, %lt3A : i32
    %sub3A = arith.constant 3 : i32
    %sub3A_2 = arith.subi %arg1, %sub3A : i32
    %jit3A = arith.constant 0 : i32
    %select_n3A = arith.select %lt3A_1, %jit3A, %sub3A_2 : i32
    %jit3A_3 = arith.constant 17 : i32
    %select_n3A_4 = arith.select %eq3A_0, %jit3A_3, %select_n3A : i32
    %c0_i32 = arith.constant 0 : i32
    %c0_i32_5 = arith.constant 0 : i32
    %c0_i32_6 = arith.constant 0 : i32
    %c0_i32_7 = arith.constant 0 : i32
    return %arg0, %c0_i32, %select_n3A_4, %c0_i32_5, %c0_i32_6 : i32, i32, i32, i32, i32
  }
  func.func @transform_1(%arg0: i32, %arg1: i32) -> (i32, i32, i32, i32) {
    %c0_i32 = arith.constant 0 : i32
    %c0_i32_0 = arith.constant 0 : i32
    %c0_i32_1 = arith.constant 0 : i32
    return %arg0, %arg1, %c0_i32, %c0_i32_0 : i32, i32, i32, i32
  }
  func.func @transform_2(%arg0: i32, %arg1: i32) -> (i32, i32, i32, i32) {
    %c0_i32 = arith.constant 0 : i32
    %c0_i32_0 = arith.constant 0 : i32
    %c0_i32_1 = arith.constant 0 : i32
    return %arg0, %arg1, %c0_i32, %c0_i32_0 : i32, i32, i32, i32
  }
  func.func @transform_3(%arg0: i32, %arg1: i32) -> (i32, i32, i32) {
    %c0_i32 = arith.constant 0 : i32
    %c0_i32_0 = arith.constant 0 : i32
    %c0_i32_1 = arith.constant 0 : i32
    %c0_i32_2 = arith.constant 0 : i32
    return %c0_i32, %c0_i32_0, %c0_i32_1 : i32, i32, i32
  }
  func.func @transform_4(%arg0: i32, %arg1: i32) -> (i32, i32, i32) {
    %c0_i32 = arith.constant 0 : i32
    %c0_i32_0 = arith.constant 0 : i32
    %c0_i32_1 = arith.constant 0 : i32
    %c0_i32_2 = arith.constant 0 : i32
    return %c0_i32, %c0_i32_0, %c0_i32_1 : i32, i32, i32
  }
  func.func @transform_5(%arg0: i32, %arg1: i32) -> (i32, i32, i32, i32, i32) {
    %c0_i32 = arith.constant 0 : i32
    %c0_i32_0 = arith.constant 0 : i32
    %c0_i32_1 = arith.constant 0 : i32
    %c0_i32_2 = arith.constant 0 : i32
    return %arg0, %c0_i32, %arg1, %c0_i32_0, %c0_i32_1 : i32, i32, i32, i32, i32
  }
  func.func @transform_6(%arg0: i32, %arg1: i32) -> (i32, i32, i32, i32) {
    %c0_i32 = arith.constant 0 : i32
    %c0_i32_0 = arith.constant 0 : i32
    %c0_i32_1 = arith.constant 0 : i32
    return %arg0, %arg1, %c0_i32, %c0_i32_0 : i32, i32, i32, i32
  }
  func.func @transform_7(%arg0: i32, %arg1: i32) -> (i32, i32, i32, i32) {
    %c0_i32 = arith.constant 0 : i32
    %c0_i32_0 = arith.constant 0 : i32
    %c0_i32_1 = arith.constant 0 : i32
    return %arg0, %arg1, %c0_i32, %c0_i32_0 : i32, i32, i32, i32
  }
}

</mosaic_0001>

<sc_bundles>
// kernel: kernel.5.cloned.1.call-start
scs
__scs_entry_jumppad:
0x0: {  	(pc) =	sbr.rel $0x88, $3  }
0x1: {  	(tag) =	ssettag $0x0;
	lr =	simm.s32 $0x1  }
0x2: {  	[smem:$0x3F9B] =	sst lr;
	_ =	strace $0xD0000000  }
0x3: {  	_ = 	snop  }
0x4: {  	_ = 	snop  }
0x5: {  	_ = 	snop  }
0x6: {  	_ = 	snop  }
0x7: {  	_ = 	snop  }
__scs_overlays_trampoline_lowered:
0x8: {  	[smem:$0x3FAA] =	sst s0  }
0x9: {  	[smem:$0x3FAB] =	sst s1  }
0xa: {  	[smem:$0x3FAC] =	sst s2  }
0xb: {  	[smem:$0x3FAD] =	sst s3  }
0xc: {  	[smem:$0x3FAE] =	sst s4  }
0xd: {  	[smem:$0x3FAF] =	sst s5  }
0xe: {  	[smem:$0x3FB0] =	sst s6  }
0xf: {  	[smem:$0x3FB1] =	sst s7  }
0x10: {  	[smem:$0x3FB2] =	sst s8  }
0x11: {  	[smem:$0x3FB3] =	sst s9;
	s0 =	simm.s32 @!p0 $0x0  }
0x12: {  	s1 =	sld [smem:$0x3F99];
	s0 =	simm.s32 @p0 $0x1  }
0x13: {  	[smem:$0x3FB4] =	sst s0;
	s0 =	simm.s32 @!p1 $0x0  }
0x14: {  	s2 =	sld [smem:$0x3F98];
	s0 =	simm.s32 @p1 $0x1  }
0x15: {  	[smem:$0x3FB5] =	sst s0;
	s0 =	simm.s32 @!p2 $0x0  }
0x16: {  	s3 =	sld [smem:$0x3FDB];
	s0 =	simm.s32 @p2 $0x1  }
0x17: {  	s4 =	simm.s32 $0x1BF5;
	[smem:$0x3FB7] =	sst s0  }
0x18: {  	s0 =	sld [smem:$0x3F9A];
	_ =	swait.ge [sflag:s4], $0x0  }
0x19: {  	s7 =	sld [smem:$0x3F9B]  }
0x1a: {  	s8 =	sadd.s32 $0xFFFFE003, lr  }
0x1b: {  	s9 =	sadd.s32 $0xFFFFFEF7, lr;
	s5 =	simm.s32 $0xFFFFFFFF;
	p2 =	slt.u32 s8, $0xFFFFF086  }
0x1c: {  	p1 =	slt.u32 s9, $0xF7A;
	s5 =	simm.s32 @!p2 $0x0  }
0x1d: {  	s5 =	simm.s32 @p1 $0x1;
	p0 =	seq.s32 s7, s2  }
0x1e: {  	s7 =	smul.u32 @!p0 $0xF7A, s2;
	p2 =	seq.s32 @!p0 s5, $0x0  }
0x1f: {  	s9 =	smul.u32 $0xF7A, s1;
	s8 =	simm.s32 @!p0 $0x1BF5;
	p2 =	por !p2, p0  }
0x20: {  	[sflag:s8] =	ssyncset.s32 @!p0 $0xFFFFF086;
	s6 =	sadd.s32 @!p0 s3, s7;
	s7 =	simm.s32 @!p0 $0x108  }
0x21: {  	s3 =	sadd.s32 s3, s9;
	s6 =	sadd.s32 @!p0 $0x88, s6;
	s7 =	simm.s32 @p2 $0x1082  }
0x22: {  	[simem:s7], [sflag:s8] =	dma.local @!p0 [hbm:s6], $0xF7A  }
0x23: {  	s9 =	sor.u32 $0xD0000000, s2;
	s6 =	simm.s32 $0x108;
	_ =	swait.ge @!p0 [sflag:s8], $0x0  }
0x24: {  	s3 =	sadd.s32 $0x88, s3;
	s6 =	simm.s32 @!p1 $0x1082;
	[sflag:s4] =	ssyncset.s32 $0xFFFFF086  }
0x25: {  	[simem:s6], [sflag:s4] =	dma.local [hbm:s3], $0xF7A  }
0x26: {  	[smem:$0x3F9B] =	sst s1;
	(tag) =	ssettag s2;
	_ =	strace s9  }
0x27: {  	s1 =	sld [smem:$0x3FAB]  }
0x28: {  	s2 =	sld [smem:$0x3FAC]  }
0x29: {  	s4 =	sld [smem:$0x3FAE]  }
0x2a: {  	p0 =	seq.s32 s5, $0x0;
	s5 =	sld [smem:$0x3FAF]  }
0x2b: {  	s6 =	sld [smem:$0x3FB0]  }
0x2c: {  	s7 =	sld [smem:$0x3FB1]  }
0x2d: {  	s3 =	simm.s32 $0x108;
	s8 =	sld [smem:$0x3FB2]  }
0x2e: {  	s3 =	simm.s32 @!p0 $0x1082;
	s9 =	sld [smem:$0x3FB3]  }
0x2f: {  	lr =	sadd.s32 s0, s3;
	s0 =	sld [smem:$0x3FAA]  }
0x30: {  	s3 =	sld [smem:$0x3FAD]  }
0x31: {  	[smem:$0x3FB6] =	sst s10  }
0x32: {  	s10 =	sld [smem:$0x3FB4];
	_ =	sdelay $0x3  }
0x33: {  	p0 =	seq.s32 s10, $0x1;
	s10 =	sld [smem:$0x3FB6];
	_ =	sdelay $0x3  }
0x34: {  	[smem:$0x3FB6] =	sst s10  }
0x35: {  	s10 =	sld [smem:$0x3FB5];
	_ =	sdelay $0x3  }
0x36: {  	p1 =	seq.s32 s10, $0x1;
	s10 =	sld [smem:$0x3FB6];
	_ =	sdelay $0x3  }
0x37: {  	[smem:$0x3FB6] =	sst s10  }
0x38: {  	s10 =	sld [smem:$0x3FB7]  }
0x39: {  	_ = 	snop;
	(pc) =	sbr.ind lr, $3  }
0x3a: {  	_ = 	snop  }
0x3b: {  	_ = 	snop  }
0x3c: {  	p2 =	seq.s32 s10, $0x1;
	s10 =	sld [smem:$0x3FB6]  }
0x3d: {  	_ =	shalt  }
0x3e: {  	_ =	shalt  }
0x3f: {  	_ =	shalt  }
0x40: {  	_ =	shalt  }
0x41: {  	_ =	shalt  }
0x42: {  	_ =	shalt  }
0x43: {  	_ =	shalt  }
0x44: {  	_ =	shalt  }
0x45: {  	_ =	shalt  }
0x46: {  	_ =	shalt  }
0x47: {  	_ =	shalt  }
0x48: {  	_ =	shalt  }
0x49: {  	_ =	shalt  }
0x4a: {  	_ =	shalt  }
0x4b: {  	_ =	shalt  }
0x4c: {  	_ =	shalt  }
0x4d: {  	_ =	shalt  }
0x4e: {  	_ =	shalt  }
0x4f: {  	_ =	shalt  }
0x50: {  	_ =	shalt  }
0x51: {  	_ =	shalt  }
0x52: {  	_ =	shalt  }
0x53: {  	_ =	shalt  }
0x54: {  	_ =	shalt  }
0x55: {  	_ =	shalt  }
0x56: {  	_ =	shalt  }
0x57: {  	_ =	shalt  }
0x58: {  	_ =	shalt  }
0x59: {  	_ =	shalt  }
0x5a: {  	_ =	shalt  }
0x5b: {  	_ =	shalt  }
0x5c: {  	_ =	shalt  }
0x5d: {  	_ =	shalt  }
0x5e: {  	_ =	shalt  }
0x5f: {  	_ =	shalt  }
0x60: {  	_ =	shalt  }
0x61: {  	_ =	shalt  }
0x62: {  	_ =	shalt  }
0x63: {  	_ =	shalt  }
0x64: {  	_ =	shalt  }
0x65: {  	_ =	shalt  }
0x66: {  	_ =	shalt  }
0x67: {  	_ =	shalt  }
0x68: {  	_ =	shalt  }
0x69: {  	_ =	shalt  }
0x6a: {  	_ =	shalt  }
0x6b: {  	_ =	shalt  }
0x6c: {  	_ =	shalt  }
0x6d: {  	_ =	shalt  }
0x6e: {  	_ =	shalt  }
0x6f: {  	_ =	shalt  }
0x70: {  	_ =	shalt  }
0x71: {  	_ =	shalt  }
0x72: {  	_ =	shalt  }
0x73: {  	_ =	shalt  }
0x74: {  	_ =	shalt  }
0x75: {  	_ =	shalt  }
0x76: {  	_ =	shalt  }
0x77: {  	_ =	shalt  }
0x78: {  	_ =	shalt  }
0x79: {  	_ =	shalt  }
0x7a: {  	_ =	shalt  }
0x7b: {  	_ =	shalt  }
0x7c: {  	_ =	shalt  }
0x7d: {  	_ =	shalt  }
0x7e: {  	_ =	shalt  }
0x7f: {  	_ =	shalt  }
0x80: {  	_ =	shalt  }
0x81: {  	_ =	shalt  }
0x82: {  	_ =	shalt  }
0x83: {  	_ =	shalt  }
0x84: {  	_ =	shalt  }
0x85: {  	_ =	shalt  }
0x86: {  	_ =	shalt  }
0x87: {  	_ =	shalt  }
.Lfunc_end0:
.L_simem_size_0:
called_computation_lowered:
.L_overlay_start_0:
0x88: {  	s2 =	sld [smem:$0x3FD9]  }
0x89: {  	s3 =	sld [smem:$0x3FFE];
	_ =	sdelay $0x1  }
0x8a: {  	s1 =	srdreg.scid  }
0x8b: {  	s0 =	sand.u32 $0x1, s1  }
0x8c: {  	s14 =	sshll.u32 s0, $0xA;
	s2 =	sadd.s32 s3, s2  }
0x8d: {  	s2 =	sadd.s32 s2, s14  }
0x8e: {  	[smem:$0x3FC2] =	sst s2  }
0x8f: {  	_ = 	snop  }
0x90: {  	s2 =	sld [smem:$0x3FD0];
	_ =	sdelay $0x2  }
0x91: {  	s15 =	simm.s32 $0xA;
	s4 =	simm.s32 $0x10  }
0x92: {  	[smem:s4], [sflag:s15] =	dma.local [hbm:s2], $0x1  }
0x93: {  	_ =	swait.eq [sflag:s15], $0x1  }
0x94: {  	s16 =	sld [smem:$0x10];
	[sflag:s15] =	ssyncset.done $0x0  }
0x95: {  	s17 =	sld [smem:$0x11];
	[sflag:s15] =	ssyncadd.s32 $0xFFFFFFFF  }
0x96: {  	s18 =	sld [smem:$0x12];
	(tm) =	ssettm $0x1  }
0x97: {  	s5 =	sld [smem:$0x3FFB];
	_ =	sdelay $0x3  }
0x98: {  	_ =	strace s5  }
0x99: {  	s5 =	sld [smem:$0x3FFC];
	_ =	sdelay $0x3  }
0x9a: {  	_ =	strace s5  }
0x9b: {  	s5 =	sld [smem:$0x3FFD];
	_ =	sdelay $0x3  }
0x9c: {  	_ =	strace s5  }
0x9d: {  	_ =	strace $0x8FFFFFFF  }
0x9e: {  	s19 =	sld [smem:$0x3FDB];
	_ =	sdelay $0x1  }
0x9f: {  	s6 =	simm.s32 $_scs_section_size  }
0xa0: {  	s7 =	simm.s32 $_size__tile_overlayer_lowered;
	s8 =	simm.s32 $_tile_overlayer_lowered  }
0xa1: {  	s22 =	simm.s32 $0x1BFF;
	s21 =	sshll.u32 s8, $0x1;
	s5 =	sadd.s32 s6, s19  }
0xa2: {  	s9 =	simm.s32 $0x0;
	s20 =	sshll.u32 s7, $0x1;
	s7 =	sadd.s32 s21, s5  }
0xa3: {  	[timem:s9], [sflag:s22] =	dma.local [hbm:s7], s20  }
0xa4: {  	_ =	swait.ge [sflag:s22], s20  }
0xa5: {  	s6 =	ssub.s32 $0x0, s20;
	[sflag:s22] =	ssyncset.done $0x0  }
0xa6: {  	[sflag:s22] =	ssyncadd.s32 s6;
	_ =	sdelay $0x1  }
0xa7: {  	s23 =	simm.s32 $0x1B8B  }
0xa8: {  	_ =	swait.ge [sflag:s23], $0x1  }
0xa9: {  	[sflag:s23] =	ssyncset.done $0x0  }
0xaa: {  	s25 =	simm.s32 $0x1B8E;
	s24 =	sld [smem:$0x3FFE];
	[sflag:s23] =	ssyncadd.s32 $0xFFFFFFFF  }
0xab: {  	s26 =	simm.s32 $execute0_lowered;
	[smem:$0x3FD2] =	sst s25  }
0xac: {  	s7 =	sshll.u32 s26, $0x1;
	_ =	strace $0x80000046;
	[dreg:$0x1] =	wrdreg $0xFFFFFFFF  }
0xad: {  	s28 =	simm.s32 $_size_execute0_lowered;
	s5 =	sadd.s32 s5, s7;
	[dreg:$0x0] =	wrdreg $0x0  }
0xae: {  	s7 =	sshll.u32 s28, $0x1;
	[dreg:$0x2] =	wrdreg s5  }
0xaf: {  	[dreg:$0x3] =	wrdreg s7  }
0xb0: {  	[dreg:$0x4] =	wrdreg $0xC0  }
0xb1: {  	_ =	task [dreg:s9], $0x5FFFF  }
0xb2: {  	[dreg:$0x1] =	wrdreg $0xFFFFFFFF  }
0xb3: {  	[dreg:$0x0] =	wrdreg $0x60  }
0xb4: {  	[dreg:$0x2] =	wrdreg s18  }
0xb5: {  	[dreg:$0x3] =	wrdreg s16  }
0xb6: {  	[dreg:$0x4] =	wrdreg s24  }
0xb7: {  	[dreg:$0x5] =	wrdreg s17  }
0xb8: {  	[dreg:$0x6] =	wrdreg $0xA5000  }
0xb9: {  	[dreg:$0x7] =	wrdreg $0x9  }
0xba: {  	_ =	task.clear_ibuf [dreg:s9], $0x8FFFF;
	_ =	strace $0x90000046  }
0xbb: {  	s29 =	simm.s32 $0x9;
	_ =	strace $0x80000048  }
0xbc: {  	_ =	swait.ge [sflag:s29], $0x1  }
0xbd: {  	[sflag:s29] =	ssyncadd.s32 $0xFFFFFFFF  }
0xbe: {  	_ =	strace $0x90000048  }
0xbf: {  	_ =	sfence  }
0xc0: {  	s30 =	sld [smem:$0x0];
	_ =	sdelay $0x2  }
0xc1: {  	s31 =	sshll.u32 s1, $0xD;
	s1 =	sshrl.u32 s1, $0x2  }
0xc2: {  	s3 =	sand.u32 $0x4000, s31;
	s1 =	sadd.s32 s1, s30  }
0xc3: {  	s0 =	sor.u32 s3, s0;
	s1 =	sshll.u32 s1, $0x11  }
0xc4: {  	s0 =	sor.u32 s1, s0  }
0xc5: {  	s0 =	sadd.s32 $0x8F2B, s0  }
0xc6: {  	[sflag:s0] =	ssyncadd.remote.s32 $0x1  }
0xc7: {  	_ =	sfence.sel $0xFFFF  }
0xc8: {  	[dreg:$0x0] =	wrdreg $0xFFFFFFFF;
	(pc) =	sbr.abs _section_cstart, $3  }
0xc9: {  	[dreg:$0x1] =	wrdreg $0xFFFFFFFF  }
0xca: {  	_ =	task.clear_ibuf [dreg:s9], $0x2FFFF;
	_ =	strace $0x9FFFFFFF  }
0xcb: {  	(tm) =	ssettm $0x7FFFFFFF  }
tec
execute0_lowered:
.L_overlay_start_1:
0x0: {  	(tag) =	ssettag $0x1  }
0x1: {  	s5 =	rddreg [dreg:$0x0]  }
0x2: {  	s6 =	rddreg [dreg:$0x1]  }
0x3: {  	s1 =	rddreg [dreg:$0x2];
	s0 =	stileid.u32  }
0x4: {  	s2 =	rddreg [dreg:$0x4];
	s10 =	smul.u32 $0x5000, s0  }
0x5: {  	s3 =	simm.s32 $0x0;
	s4 =	srdreg.scid;
	s7 =	smul.u32 $0x500, s0  }
0x6: {  	[smem:$0x7FF] =	sst s3;
	s31 =	sand.u32 $0x1, s4;
	s21 =	smul.u32 $0xA000, s0  }
0x7: {  	s4 =	sadd.s32 $0xA00, s1;
	s12 =	sshll.u32 s0, $0x6;
	s8 =	smul.u32 $0x5000, s31  }
0x8: {  	_ =	strace $0x80000047;
	s11 =	smul.u32 $0xA0000, s31;
	s14 =	sor.u32 $0x2, s31  }
0x9: {  	s9 =	sadd.s32 s10, s2;
	[dreg:$0xa] =	wrdreg s14;
	s13 =	smul.u32 $0x5000, s14  }
0xa: {  	s14 =	smul.u32 $0xA0000, s14;
	s8 =	sadd.s32 s7, s8;
	s11 =	sadd.s32 s21, s11  }
0xb: {  	s1 =	smov.u32 s10;
	s8 =	sshrl.u32 s8, $0x3;
	s22 =	sshrl.u32 s11, $0x3  }
0xc: {  	s7 =	sadd.s32 s7, s13;
	s10 =	sadd.s32 s21, s14;
	s8 =	sadd.s32 s5, s8  }
0xd: {  	s7 =	sshrl.u32 s7, $0x3;
	[dreg:$0x6] =	wrdreg s8;
	s8 =	sadd.s32 s6, s22  }
0xe: {  	s23 =	sshrl.u32 s10, $0x3;
	s7 =	sadd.s32 s5, s7;
	[dreg:$0x7] =	wrdreg s8  }
0xf: {  	s5 =	sor.u32 $0x1C01, s12;
	s6 =	sadd.s32 s6, s23;
	[dreg:$0x8] =	wrdreg s7  }
0x10: {  	[dreg:$0x9] =	wrdreg s6;
	s7 =	sshrl.u32 s9, $0x3;
	s6 =	simm.s32 $0x1  }
0x11: {  	[spmem:s7], [sflag:s5] =	dma.local [hbm:s4], $0xA00  }
0x12: {  	_ =	swait.ge [sflag:s6], $0xA00  }
0x13: {  	s24 =	sadd.s32 $0x50000, s9;
	[sflag:s6] =	ssyncset.done $0x0  }
0x14: {  	s8 =	sshrl.u32 s24, $0x3;
	[sflag:s6] =	ssyncadd.s32 $0xFFFFF600  }
0x15: {  	[spmem:s8], [sflag:s5] =	dma.local [hbm:s4], $0xA00  }
0x16: {  	_ =	swait.ge [sflag:s6], $0xA00  }
0x17: {  	[sflag:s6] =	ssyncset.done $0x0  }
0x18: {  	[sflag:s6] =	ssyncadd.s32 $0xFFFFF600  }
0x19: {  	[bflag:$0x0] =	sbarrier.arrive $0xFFFF  }
0x1a: {  	s25 =	rddreg [dreg:$0x6]  }
0x1b: {  	[tilespmem:s3], [sflag:$0x1] =	stream.linear.gather [hbm4b:s25+s3], $0x500, $0x38;
	[tilespmem:$0x14500] =	vst v63  }
0x1c: {  	_ =	swait.ge [sflag:s6], $0x500  }
0x1d: {  	[sflag:s6] =	ssyncset.done $0x0  }
0x1e: {  	s9 =	simm.s32 $0x500;
	s26 =	rddreg [dreg:$0x7];
	[sflag:s6] =	ssyncadd.s32 $0xFFFFFB00  }
0x1f: {  	[tilespmem:s9], [sflag:$0x1] =	stream.linear.gather [hbm4b:s26+s3], $0xA000, $0x38;
	[tilespmem:$0x14500] =	vst v63  }
0x20: {  	_ =	swait.ge [sflag:s6], $0xA000  }
0x21: {  	[sflag:s6] =	ssyncset.done $0x0  }
0x22: {  	s10 =	simm.s32 $0x80;
	[sflag:s6] =	ssyncadd.s32 $0xFFFF6000  }
0x23: {  	[spmem:s2] =	stream.indirect.scatter.add.f32 [tilespmem:s9], [sflag:$0x1], $0x20, s3, s10, $0xb8;
	[tilespmem:$0x14500] =	vst v63  }
0x24: {  	_ =	swait.ge [sflag:s6], $0x1000  }
0x25: {  	[sflag:s6] =	ssyncset.done $0x0  }
0x26: {  	s11 =	simm.s32 $0x1500;
	[sflag:s6] =	ssyncadd.s32 $0xFFFFF000  }
0x27: {  	[spmem:s2] =	stream.indirect.scatter.add.f32 [tilespmem:s11], [sflag:$0x1], $0x20, s10, s10, $0xb8;
	[tilespmem:$0x14500] =	vst v63  }
0x28: {  	_ =	swait.ge [sflag:s6], $0x1000  }
0x29: {  	[sflag:s6] =	ssyncset.done $0x0  }
0x2a: {  	s13 =	simm.s32 $0x2500;
	s12 =	simm.s32 $0x100;
	[sflag:s6] =	ssyncadd.s32 $0xFFFFF000  }
0x2b: {  	[spmem:s2] =	stream.indirect.scatter.add.f32 [tilespmem:s13], [sflag:$0x1], $0x20, s12, s10, $0xb8;
	[tilespmem:$0x14500] =	vst v63  }
0x2c: {  	_ =	swait.ge [sflag:s6], $0x1000  }
0x2d: {  	[sflag:s6] =	ssyncset.done $0x0  }
0x2e: {  	s15 =	simm.s32 $0x3500;
	s14 =	simm.s32 $0x180;
	[sflag:s6] =	ssyncadd.s32 $0xFFFFF000  }
0x2f: {  	[spmem:s2] =	stream.indirect.scatter.add.f32 [tilespmem:s15], [sflag:$0x1], $0x20, s14, s10, $0xb8;
	[tilespmem:$0x14500] =	vst v63  }
0x30: {  	_ =	swait.ge [sflag:s6], $0x1000  }
0x31: {  	[sflag:s6] =	ssyncset.done $0x0  }
0x32: {  	s16 =	simm.s32 $0x200;
	s17 =	simm.s32 $0x4500;
	[sflag:s6] =	ssyncadd.s32 $0xFFFFF000  }
0x33: {  	[spmem:s2] =	stream.indirect.scatter.add.f32 [tilespmem:s17], [sflag:$0x1], $0x20, s16, s10, $0xb8;
	[tilespmem:$0x14500] =	vst v63  }
0x34: {  	_ =	swait.ge [sflag:s6], $0x1000  }
0x35: {  	[sflag:s6] =	ssyncset.done $0x0  }
0x36: {  	s18 =	simm.s32 $0x280;
	s19 =	simm.s32 $0x5500;
	[sflag:s6] =	ssyncadd.s32 $0xFFFFF000  }
0x37: {  	[spmem:s2] =	stream.indirect.scatter.add.f32 [tilespmem:s19], [sflag:$0x1], $0x20, s18, s10, $0xb8;
	[tilespmem:$0x14500] =	vst v63  }
0x38: {  	_ =	swait.ge [sflag:s6], $0x1000  }
0x39: {  	[sflag:s6] =	ssyncset.done $0x0  }
0x3a: {  	s20 =	simm.s32 $0x300;
	s21 =	simm.s32 $0x6500;
	[sflag:s6] =	ssyncadd.s32 $0xFFFFF000  }
0x3b: {  	[spmem:s2] =	stream.indirect.scatter.add.f32 [tilespmem:s21], [sflag:$0x1], $0x20, s20, s10, $0xb8;
	[tilespmem:$0x14500] =	vst v63  }
0x3c: {  	_ =	swait.ge [sflag:s6], $0x1000  }
0x3d: {  	[sflag:s6] =	ssyncset.done $0x0  }
0x3e: {  	s22 =	simm.s32 $0x380;
	s23 =	simm.s32 $0x7500;
	[sflag:s6] =	ssyncadd.s32 $0xFFFFF000  }
0x3f: {  	[spmem:s2] =	stream.indirect.scatter.add.f32 [tilespmem:s23], [sflag:$0x1], $0x20, s22, s10, $0xb8;
	[tilespmem:$0x14500] =	vst v63  }
0x40: {  	_ =	swait.ge [sflag:s6], $0x1000  }
0x41: {  	[sflag:s6] =	ssyncset.done $0x0  }
0x42: {  	s24 =	simm.s32 $0x400;
	s25 =	simm.s32 $0x8500;
	[sflag:s6] =	ssyncadd.s32 $0xFFFFF000  }
0x43: {  	[spmem:s2] =	stream.indirect.scatter.add.f32 [tilespmem:s25], [sflag:$0x1], $0x20, s24, s10, $0xb8;
	[tilespmem:$0x14500] =	vst v63  }
0x44: {  	_ =	swait.ge [sflag:s6], $0x1000  }
0x45: {  	[sflag:s6] =	ssyncset.done $0x0  }
0x46: {  	s28 =	simm.s32 $0x9500;
	s26 =	simm.s32 $0x480;
	[sflag:s6] =	ssyncadd.s32 $0xFFFFF000  }
0x47: {  	[spmem:s2] =	stream.indirect.scatter.add.f32 [tilespmem:s28], [sflag:$0x1], $0x20, s26, s10, $0xb8;
	[tilespmem:$0x14500] =	vst v63  }
0x48: {  	_ =	swait.ge [sflag:s6], $0x1000  }
0x49: {  	[sflag:s6] =	ssyncset.done $0x0  }
0x4a: {  	s29 =	rddreg [dreg:$0x8];
	[sflag:s6] =	ssyncadd.s32 $0xFFFFF000  }
0x4b: {  	[tilespmem:s3], [sflag:$0x1] =	stream.linear.gather [hbm4b:s29+s3], $0x500, $0x38;
	[tilespmem:$0x14500] =	vst v63  }
0x4c: {  	_ =	swait.ge [sflag:s6], $0x500  }
0x4d: {  	[sflag:s6] =	ssyncset.done $0x0  }
0x4e: {  	s29 =	rddreg [dreg:$0x9];
	[sflag:s6] =	ssyncadd.s32 $0xFFFFFB00  }
0x4f: {  	[tilespmem:s9], [sflag:$0x1] =	stream.linear.gather [hbm4b:s29+s3], $0xA000, $0x38;
	[tilespmem:$0x14500] =	vst v63  }
0x50: {  	_ =	swait.ge [sflag:s6], $0xA000  }
0x51: {  	[sflag:s6] =	ssyncset.done $0x0  }
0x52: {  	s29 =	sadd.s32 $0x50000, s2;
	[sflag:s6] =	ssyncadd.s32 $0xFFFF6000  }
0x53: {  	[spmem:s29] =	stream.indirect.scatter.add.f32 [tilespmem:s9], [sflag:$0x1], $0x20, s3, s10, $0xb8;
	[tilespmem:$0x14500] =	vst v63  }
0x54: {  	_ =	swait.ge [sflag:s6], $0x1000  }
0x55: {  	[sflag:s6] =	ssyncset.done $0x0  }
0x56: {  	[sflag:s6] =	ssyncadd.s32 $0xFFFFF000  }
0x57: {  	[spmem:s29] =	stream.indirect.scatter.add.f32 [tilespmem:s11], [sflag:$0x1], $0x20, s10, s10, $0xb8;
	[tilespmem:$0x14500] =	vst v63  }
0x58: {  	_ =	swait.ge [sflag:s6], $0x1000  }
0x59: {  	[sflag:s6] =	ssyncset.done $0x0  }
0x5a: {  	[sflag:s6] =	ssyncadd.s32 $0xFFFFF000  }
0x5b: {  	[spmem:s29] =	stream.indirect.scatter.add.f32 [tilespmem:s13], [sflag:$0x1], $0x20, s12, s10, $0xb8;
	[tilespmem:$0x14500] =	vst v63  }
0x5c: {  	_ =	swait.ge [sflag:s6], $0x1000  }
0x5d: {  	[sflag:s6] =	ssyncset.done $0x0  }
0x5e: {  	[sflag:s6] =	ssyncadd.s32 $0xFFFFF000  }
0x5f: {  	[spmem:s29] =	stream.indirect.scatter.add.f32 [tilespmem:s15], [sflag:$0x1], $0x20, s14, s10, $0xb8;
	[tilespmem:$0x14500] =	vst v63  }
0x60: {  	_ =	swait.ge [sflag:s6], $0x1000  }
0x61: {  	[sflag:s6] =	ssyncset.done $0x0  }
0x62: {  	[sflag:s6] =	ssyncadd.s32 $0xFFFFF000  }
0x63: {  	[spmem:s29] =	stream.indirect.scatter.add.f32 [tilespmem:s17], [sflag:$0x1], $0x20, s16, s10, $0xb8;
	[tilespmem:$0x14500] =	vst v63  }
0x64: {  	_ =	swait.ge [sflag:s6], $0x1000  }
0x65: {  	[sflag:s6] =	ssyncset.done $0x0  }
0x66: {  	[sflag:s6] =	ssyncadd.s32 $0xFFFFF000  }
0x67: {  	[spmem:s29] =	stream.indirect.scatter.add.f32 [tilespmem:s19], [sflag:$0x1], $0x20, s18, s10, $0xb8;
	[tilespmem:$0x14500] =	vst v63  }
0x68: {  	_ =	swait.ge [sflag:s6], $0x1000  }
0x69: {  	[sflag:s6] =	ssyncset.done $0x0  }
0x6a: {  	[sflag:s6] =	ssyncadd.s32 $0xFFFFF000  }
0x6b: {  	[spmem:s29] =	stream.indirect.scatter.add.f32 [tilespmem:s21], [sflag:$0x1], $0x20, s20, s10, $0xb8;
	[tilespmem:$0x14500] =	vst v63  }
0x6c: {  	_ =	swait.ge [sflag:s6], $0x1000  }
0x6d: {  	[sflag:s6] =	ssyncset.done $0x0  }
0x6e: {  	[sflag:s6] =	ssyncadd.s32 $0xFFFFF000  }
0x6f: {  	[spmem:s29] =	stream.indirect.scatter.add.f32 [tilespmem:s23], [sflag:$0x1], $0x20, s22, s10, $0xb8;
	[tilespmem:$0x14500] =	vst v63  }
0x70: {  	_ =	swait.ge [sflag:s6], $0x1000  }
0x71: {  	[sflag:s6] =	ssyncset.done $0x0  }
0x72: {  	[sflag:s6] =	ssyncadd.s32 $0xFFFFF000  }
0x73: {  	[spmem:s29] =	stream.indirect.scatter.add.f32 [tilespmem:s25], [sflag:$0x1], $0x20, s24, s10, $0xb8;
	[tilespmem:$0x14500] =	vst v63  }
0x74: {  	_ =	swait.ge [sflag:s6], $0x1000  }
0x75: {  	[sflag:s6] =	ssyncset.done $0x0  }
0x76: {  	[sflag:s6] =	ssyncadd.s32 $0xFFFFF000  }
0x77: {  	[spmem:s29] =	stream.indirect.scatter.add.f32 [tilespmem:s28], [sflag:$0x1], $0x20, s26, s10, $0xb8;
	[tilespmem:$0x14500] =	vst v63  }
0x78: {  	s0 =	smul.u32 $0x50000, s31;
	_ =	swait.ge [sflag:s6], $0x1000  }
0x79: {  	[sflag:s6] =	ssyncset.done $0x0  }
0x7a: {  	s30 =	sadd.s32 s1, s0;
	[sflag:s6] =	ssyncadd.s32 $0xFFFFF000  }
0x7b: {  	s0 =	ssub.s32 $0x2, s31;
	s31 =	sshrl.u32 s30, $0x3;
	s30 =	rddreg [dreg:$0x3]  }
0x7c: {  	s30 =	sadd.s32 s30, s31;
	s31 =	rddreg [dreg:$0xa]  }
0x7d: {  	[bflag:$0x0] =	sbarrier.arrive $0xFFFF;
	s31 =	smul.u32 $0x50000, s31  }
0x7e: {  	[hbm:s30], [sflag:s5] =	dma.local [spmem:s7], $0xA00  }
0x7f: {  	s1 =	sadd.s32 s1, s31;
	s31 =	sshrl.u32 s0, $0x1  }
0x80: {  	s0 =	ssub.s32 s0, s31  }
0x81: {  	_ =	swait.ge [sflag:s6], $0xA00;
	s0 =	smax.u32 s0, $0x1  }
0x82: {  	[sflag:s6] =	ssyncset.done $0x0;
	p0 =	sne.s32 s0, $0x1  }
.Ltmp0:
0x83: {  	s1 =	sshrl.u32 s1, $0x3;
	s31 =	rddreg [dreg:$0x3];
	(pc) =	sbr.rel @!p0 .LBB2_2-.Ltmp0, $4  }
0x84: {  	[sflag:s6] =	ssyncadd.s32 $0xFFFFF600;
	s31 =	sadd.s32 s31, s1  }
0x85: {  	[hbm:s31], [sflag:s5] =	dma.local [spmem:s8], $0xA00  }
0x86: {  	_ =	swait.ge [sflag:s6], $0xA00  }
0x87: {  	s0 =	sadd.s32 $0xFFFFFFFF, s0;
	[sflag:s6] =	ssyncset.done $0x0  }
.LBB2_1:
0x88: {  	[sflag:s6] =	ssyncadd.s32 $0xFFFFF600  }
0x89: {  	[spmem:s7], [sflag:s5] =	dma.local [hbm:s4], $0xA00  }
0x8a: {  	_ =	swait.ge [sflag:s6], $0xA00  }
0x8b: {  	[sflag:s6] =	ssyncset.done $0x0  }
0x8c: {  	[sflag:s6] =	ssyncadd.s32 $0xFFFFF600  }
0x8d: {  	[spmem:s8], [sflag:s5] =	dma.local [hbm:s4], $0xA00  }
0x8e: {  	_ =	swait.ge [sflag:s6], $0xA00  }
0x8f: {  	[sflag:s6] =	ssyncset.done $0x0  }
0x90: {  	[sflag:s6] =	ssyncadd.s32 $0xFFFFF600  }
0x91: {  	[bflag:$0x0] =	sbarrier.arrive $0xFFFF  }
0x92: {  	s1 =	rddreg [dreg:$0x6]  }
0x93: {  	[tilespmem:s3], [sflag:$0x1] =	stream.linear.gather [hbm4b:s1+s3], $0x500, $0x38;
	[tilespmem:$0x14500] =	vst v63  }
0x94: {  	_ =	swait.ge [sflag:s6], $0x500  }
0x95: {  	[sflag:s6] =	ssyncset.done $0x0  }
0x96: {  	s1 =	rddreg [dreg:$0x7];
	[sflag:s6] =	ssyncadd.s32 $0xFFFFFB00  }
0x97: {  	[tilespmem:s9], [sflag:$0x1] =	stream.linear.gather [hbm4b:s1+s3], $0xA000, $0x38;
	[tilespmem:$0x14500] =	vst v63  }
0x98: {  	_ =	swait.ge [sflag:s6], $0xA000  }
0x99: {  	[sflag:s6] =	ssyncset.done $0x0  }
0x9a: {  	[sflag:s6] =	ssyncadd.s32 $0xFFFF6000  }
0x9b: {  	[spmem:s2] =	stream.indirect.scatter.add.f32 [tilespmem:s9], [sflag:$0x1], $0x20, s3, s10, $0xb8;
	[tilespmem:$0x14500] =	vst v63  }
0x9c: {  	_ =	swait.ge [sflag:s6], $0x1000  }
0x9d: {  	[sflag:s6] =	ssyncset.done $0x0  }
0x9e: {  	[sflag:s6] =	ssyncadd.s32 $0xFFFFF000  }
0x9f: {  	[spmem:s2] =	stream.indirect.scatter.add.f32 [tilespmem:s11], [sflag:$0x1], $0x20, s10, s10, $0xb8;
	[tilespmem:$0x14500] =	vst v63  }
0xa0: {  	_ =	swait.ge [sflag:s6], $0x1000  }
0xa1: {  	[sflag:s6] =	ssyncset.done $0x0  }
0xa2: {  	[sflag:s6] =	ssyncadd.s32 $0xFFFFF000  }
0xa3: {  	[spmem:s2] =	stream.indirect.scatter.add.f32 [tilespmem:s13], [sflag:$0x1], $0x20, s12, s10, $0xb8;
	[tilespmem:$0x14500] =	vst v63  }
0xa4: {  	_ =	swait.ge [sflag:s6], $0x1000  }
0xa5: {  	[sflag:s6] =	ssyncset.done $0x0  }
0xa6: {  	[sflag:s6] =	ssyncadd.s32 $0xFFFFF000  }
0xa7: {  	[spmem:s2] =	stream.indirect.scatter.add.f32 [tilespmem:s15], [sflag:$0x1], $0x20, s14, s10, $0xb8;
	[tilespmem:$0x14500] =	vst v63  }
0xa8: {  	_ =	swait.ge [sflag:s6], $0x1000  }
0xa9: {  	[sflag:s6] =	ssyncset.done $0x0  }
0xaa: {  	[sflag:s6] =	ssyncadd.s32 $0xFFFFF000  }
0xab: {  	[spmem:s2] =	stream.indirect.scatter.add.f32 [tilespmem:s17], [sflag:$0x1], $0x20, s16, s10, $0xb8;
	[tilespmem:$0x14500] =	vst v63  }
0xac: {  	_ =	swait.ge [sflag:s6], $0x1000  }
0xad: {  	[sflag:s6] =	ssyncset.done $0x0  }
0xae: {  	[sflag:s6] =	ssyncadd.s32 $0xFFFFF000  }
0xaf: {  	[spmem:s2] =	stream.indirect.scatter.add.f32 [tilespmem:s19], [sflag:$0x1], $0x20, s18, s10, $0xb8;
	[tilespmem:$0x14500] =	vst v63  }
0xb0: {  	_ =	swait.ge [sflag:s6], $0x1000  }
0xb1: {  	[sflag:s6] =	ssyncset.done $0x0  }
0xb2: {  	[sflag:s6] =	ssyncadd.s32 $0xFFFFF000  }
0xb3: {  	[spmem:s2] =	stream.indirect.scatter.add.f32 [tilespmem:s21], [sflag:$0x1], $0x20, s20, s10, $0xb8;
	[tilespmem:$0x14500] =	vst v63  }
0xb4: {  	_ =	swait.ge [sflag:s6], $0x1000  }
0xb5: {  	[sflag:s6] =	ssyncset.done $0x0  }
0xb6: {  	[sflag:s6] =	ssyncadd.s32 $0xFFFFF000  }
0xb7: {  	[spmem:s2] =	stream.indirect.scatter.add.f32 [tilespmem:s23], [sflag:$0x1], $0x20, s22, s10, $0xb8;
	[tilespmem:$0x14500] =	vst v63  }
0xb8: {  	_ =	swait.ge [sflag:s6], $0x1000  }
0xb9: {  	[sflag:s6] =	ssyncset.done $0x0  }
0xba: {  	[sflag:s6] =	ssyncadd.s32 $0xFFFFF000  }
0xbb: {  	[spmem:s2] =	stream.indirect.scatter.add.f32 [tilespmem:s25], [sflag:$0x1], $0x20, s24, s10, $0xb8;
	[tilespmem:$0x14500] =	vst v63  }
0xbc: {  	_ =	swait.ge [sflag:s6], $0x1000  }
0xbd: {  	[sflag:s6] =	ssyncset.done $0x0  }
0xbe: {  	[sflag:s6] =	ssyncadd.s32 $0xFFFFF000  }
0xbf: {  	[spmem:s2] =	stream.indirect.scatter.add.f32 [tilespmem:s28], [sflag:$0x1], $0x20, s26, s10, $0xb8;
	[tilespmem:$0x14500] =	vst v63  }
0xc0: {  	_ =	swait.ge [sflag:s6], $0x1000  }
0xc1: {  	[sflag:s6] =	ssyncset.done $0x0  }
0xc2: {  	s1 =	rddreg [dreg:$0x8];
	[sflag:s6] =	ssyncadd.s32 $0xFFFFF000  }
0xc3: {  	[tilespmem:s3], [sflag:$0x1] =	stream.linear.gather [hbm4b:s1+s3], $0x500, $0x38;
	[tilespmem:$0x14500] =	vst v63  }
0xc4: {  	_ =	swait.ge [sflag:s6], $0x500  }
0xc5: {  	[sflag:s6] =	ssyncset.done $0x0  }
0xc6: {  	s1 =	rddreg [dreg:$0x9];
	[sflag:s6] =	ssyncadd.s32 $0xFFFFFB00  }
0xc7: {  	[tilespmem:s9], [sflag:$0x1] =	stream.linear.gather [hbm4b:s1+s3], $0xA000, $0x38;
	[tilespmem:$0x14500] =	vst v63  }
0xc8: {  	_ =	swait.ge [sflag:s6], $0xA000  }
0xc9: {  	[sflag:s6] =	ssyncset.done $0x0  }
0xca: {  	[sflag:s6] =	ssyncadd.s32 $0xFFFF6000  }
0xcb: {  	[spmem:s29] =	stream.indirect.scatter.add.f32 [tilespmem:s9], [sflag:$0x1], $0x20, s3, s10, $0xb8;
	[tilespmem:$0x14500] =	vst v63  }
0xcc: {  	_ =	swait.ge [sflag:s6], $0x1000  }
0xcd: {  	[sflag:s6] =	ssyncset.done $0x0  }
0xce: {  	[sflag:s6] =	ssyncadd.s32 $0xFFFFF000  }
0xcf: {  	[spmem:s29] =	stream.indirect.scatter.add.f32 [tilespmem:s11], [sflag:$0x1], $0x20, s10, s10, $0xb8;
	[tilespmem:$0x14500] =	vst v63  }
0xd0: {  	_ =	swait.ge [sflag:s6], $0x1000  }
0xd1: {  	[sflag:s6] =	ssyncset.done $0x0  }
0xd2: {  	[sflag:s6] =	ssyncadd.s32 $0xFFFFF000  }
0xd3: {  	[spmem:s29] =	stream.indirect.scatter.add.f32 [tilespmem:s13], [sflag:$0x1], $0x20, s12, s10, $0xb8;
	[tilespmem:$0x14500] =	vst v63  }
0xd4: {  	_ =	swait.ge [sflag:s6], $0x1000  }
0xd5: {  	[sflag:s6] =	ssyncset.done $0x0  }
0xd6: {  	[sflag:s6] =	ssyncadd.s32 $0xFFFFF000  }
0xd7: {  	[spmem:s29] =	stream.indirect.scatter.add.f32 [tilespmem:s15], [sflag:$0x1], $0x20, s14, s10, $0xb8;
	[tilespmem:$0x14500] =	vst v63  }
0xd8: {  	_ =	swait.ge [sflag:s6], $0x1000  }
0xd9: {  	[sflag:s6] =	ssyncset.done $0x0  }
0xda: {  	[sflag:s6] =	ssyncadd.s32 $0xFFFFF000  }
0xdb: {  	[spmem:s29] =	stream.indirect.scatter.add.f32 [tilespmem:s17], [sflag:$0x1], $0x20, s16, s10, $0xb8;
	[tilespmem:$0x14500] =	vst v63  }
0xdc: {  	_ =	swait.ge [sflag:s6], $0x1000  }
0xdd: {  	[sflag:s6] =	ssyncset.done $0x0  }
0xde: {  	[sflag:s6] =	ssyncadd.s32 $0xFFFFF000  }
0xdf: {  	[spmem:s29] =	stream.indirect.scatter.add.f32 [tilespmem:s19], [sflag:$0x1], $0x20, s18, s10, $0xb8;
	[tilespmem:$0x14500] =	vst v63  }
0xe0: {  	_ =	swait.ge [sflag:s6], $0x1000  }
0xe1: {  	[sflag:s6] =	ssyncset.done $0x0  }
0xe2: {  	[sflag:s6] =	ssyncadd.s32 $0xFFFFF000  }
0xe3: {  	[spmem:s29] =	stream.indirect.scatter.add.f32 [tilespmem:s21], [sflag:$0x1], $0x20, s20, s10, $0xb8;
	[tilespmem:$0x14500] =	vst v63  }
0xe4: {  	_ =	swait.ge [sflag:s6], $0x1000  }
0xe5: {  	[sflag:s6] =	ssyncset.done $0x0  }
0xe6: {  	[sflag:s6] =	ssyncadd.s32 $0xFFFFF000  }
0xe7: {  	[spmem:s29] =	stream.indirect.scatter.add.f32 [tilespmem:s23], [sflag:$0x1], $0x20, s22, s10, $0xb8;
	[tilespmem:$0x14500] =	vst v63  }
0xe8: {  	_ =	swait.ge [sflag:s6], $0x1000  }
0xe9: {  	[sflag:s6] =	ssyncset.done $0x0  }
0xea: {  	[sflag:s6] =	ssyncadd.s32 $0xFFFFF000  }
0xeb: {  	[spmem:s29] =	stream.indirect.scatter.add.f32 [tilespmem:s25], [sflag:$0x1], $0x20, s24, s10, $0xb8;
	[tilespmem:$0x14500] =	vst v63  }
0xec: {  	_ =	swait.ge [sflag:s6], $0x1000  }
0xed: {  	[sflag:s6] =	ssyncset.done $0x0  }
0xee: {  	[sflag:s6] =	ssyncadd.s32 $0xFFFFF000  }
0xef: {  	[spmem:s29] =	stream.indirect.scatter.add.f32 [tilespmem:s28], [sflag:$0x1], $0x20, s26, s10, $0xb8;
	[tilespmem:$0x14500] =	vst v63  }
0xf0: {  	_ =	swait.ge [sflag:s6], $0x1000  }
0xf1: {  	[sflag:s6] =	ssyncset.done $0x0  }
0xf2: {  	[sflag:s6] =	ssyncadd.s32 $0xFFFFF000  }
0xf3: {  	[bflag:$0x0] =	sbarrier.arrive $0xFFFF  }
0xf4: {  	[hbm:s30], [sflag:s5] =	dma.local [spmem:s7], $0xA00  }
0xf5: {  	p0 =	sne.s32 s0, $0x1;
	_ =	swait.ge [sflag:s6], $0xA00  }
.Ltmp1:
0xf6: {  	[sflag:s6] =	ssyncset.done $0x0;
	(pc) =	sbr.rel @p0 .LBB2_1-.Ltmp1, $4  }
0xf7: {  	[sflag:s6] =	ssyncadd.s32 $0xFFFFF600  }
0xf8: {  	[hbm:s31], [sflag:s5] =	dma.local [spmem:s8], $0xA00  }
0xf9: {  	_ =	swait.ge [sflag:s6], $0xA00  }
0xfa: {  	s0 =	sadd.s32 $0xFFFFFFFF, s0;
	[sflag:s6] =	ssyncset.done $0x0  }
.LBB2_2:
0xfb: {  	[sflag:s6] =	ssyncadd.s32 $0xFFFFF600  }
0xfc: {  	_ =	sfence.sel $0x180000  }
0xfd: {  	[bflag:$0x0] =	sbarrier.arrive $0xFFFF  }
0xfe: {  	_ =	strace $0x90000047  }
0xff: {  	s0 =	stileid.u32;
	[bflag:$0x2] =	sbarrier.arrive $0xFFFF  }
0x100: {  	p0 =	sne.s32 s0, $0x0;
	s0 =	rddreg [dreg:$0x5]  }
0x101: {  	s0 =	sadd.s32 @!p0 $0x100000, s0  }
0x102: {  	[sflag:s0] =	ssyncadd.tile.s32 @!p0 $0x1;
	_ =	shalt  }
.Lfunc_end2:
_tile_overlayer_lowered:
.L_overlay_start_2:
0x103: {  	(tag) =	ssettag $0x2  }
0x104: {  	s0 =	rddreg [dreg:$0x0];
	s2 =	stileid.u32  }
0x105: {  	s1 =	rddreg [dreg:$0x1];
	p0 =	sne.s32 s2, $0x0  }
0x106: {  	s3 =	rddreg [dreg:$0x2];
	[bflag:$0x3] =	sbarrier.arrive $0xFFFF;
	s2 =	simm.s32 @!p0 $0x1C01  }
0x107: {  	[timem:s3], [sflag:s2] =	dma.local @!p0 [hbm:s0], s1  }
0x108: {  	s0 =	simm.s32 @!p0 $0x1  }
0x109: {  	_ =	swait.ge @!p0 [sflag:s0], s1  }
0x10a: {  	s1 =	ssub.s32 @!p0 $0x0, s1;
	[sflag:s0] =	ssyncset.done @!p0 $0x0  }
0x10b: {  	[sflag:s0] =	ssyncadd.s32 @!p0 s1  }
0x10c: {  	[bflag:$0x3] =	sbarrier.arrive $0xFFFF  }
0x10d: {  	_ =	shalt  }

</sc_bundles>
